<compile_context>
chip_gen: v7x
topology: tpu7x:2x2x1
jax: 0.10.2.dev20260603
libtpu: 0.0.44.dev20260713+nightly
codegen_flags: <defaults>
</compile_context>

<pallas_src>
import functools
import jax
import jax.numpy as jnp
from jax import lax
from jax.experimental import pallas as pl
from jax.experimental.pallas import tpu as pltpu
from jax.experimental.pallas import tpu_sc as plsc

N = 10000
E = 320000
IN_DIM = 128
OUT_DIM = 100

DP = 112
NC = 2
NS = 16
NW = NC * NS
CW = 128
ROWS = E // CW
CPW = ROWS // NW
XW = ROWS - NW * CPW
RPT = N // NS
HR = CPW // 2


@functools.cache
def _sc_kernels():
    mesh = plsc.VectorSubcoreMesh(
        core_axis_name="c", subcore_axis_name="s",
        num_cores=NC, num_subcores=NS)

    params = pltpu.CompilerParams(use_tc_tiling_on_sc=False)

    deg_kernel = functools.partial(
        pl.kernel,
        out_type=jax.ShapeDtypeStruct((NC, N, 16), jnp.float32),
        mesh=mesh,
        compiler_params=params,
        scratch_types=[
            pltpu.VMEM((CPW + 1, CW), jnp.int32),
            pltpu.VMEM((CW, 16), jnp.float32),
            pltpu.VMEM_SHARED((N, 16), jnp.float32),
            pltpu.SemaphoreType.DMA,
        ],
    )(_deg_body)

    edge_kernel = functools.partial(
        pl.kernel,
        out_type=jax.ShapeDtypeStruct((NC, N, DP), jnp.float32),
        mesh=mesh,
        compiler_params=params,
        scratch_types=[
            pltpu.VMEM((HR + 1, CW), jnp.int32),
            pltpu.VMEM((HR + 1, CW), jnp.int32),
            pltpu.VMEM((CW, DP), jnp.float32),
            pltpu.VMEM((CW, DP), jnp.float32),
            pltpu.VMEM((CW, DP), jnp.float32),
            pltpu.VMEM_SHARED((N, DP), jnp.float32),
        ] + [pltpu.SemaphoreType.DMA] * 6,
    )(_edge_body)

    return deg_kernel, edge_kernel


def _deg_body(dst_hbm, zeros_hbm, ones_hbm, deg_out, dstv, onesv, acc, sem):
    c = lax.axis_index("c")
    s = lax.axis_index("s")
    wid = s * NC + c
    pltpu.sync_copy(zeros_hbm, acc.at[pl.ds(s * RPT, RPT)])
    pltpu.sync_copy(dst_hbm.at[pl.ds(wid * CPW, CPW)],
                    dstv.at[pl.ds(0, CPW)])
    pltpu.sync_copy(ones_hbm, onesv)

    @pl.when(wid < XW)
    def _():
        pltpu.sync_copy(dst_hbm.at[pl.ds(NW * CPW + wid, 1)],
                        dstv.at[pl.ds(CPW, 1)])

    plsc.subcore_barrier()

    def fire(j, carry):
        pltpu.async_copy(onesv, acc.at[dstv.at[j]], sem, add=True)
        return carry

    lax.fori_loop(0, CPW, fire, 0)

    @pl.when(wid < XW)
    def _():
        pltpu.sync_copy(onesv, acc.at[dstv.at[CPW]], add=True)

    def drain(j, carry):
        pltpu.make_async_copy(onesv, acc.at[dstv.at[0]], sem).wait()
        return carry

    lax.fori_loop(0, CPW, drain, 0)
    plsc.subcore_barrier()
    pltpu.sync_copy(acc.at[pl.ds(s * RPT, RPT)],
                    deg_out.at[c, pl.ds(s * RPT, RPT)])


def _edge_body(hp_hbm, src_hbm, dst_hbm, zeros_hbm, acc_out,
               srcv, dstv, r0, r1, r2, acc, g0, g1, g2, s0, s1, s2):
    rows = (r0, r1, r2)
    gsem = (g0, g1, g2)
    ssem = (s0, s1, s2)
    c = lax.axis_index("c")
    s = lax.axis_index("s")
    wid = s * NC + c

    @pl.when(c == 0)
    def _():
        pltpu.sync_copy(hp_hbm.at[pl.ds(s * RPT, RPT)],
                        acc.at[pl.ds(s * RPT, RPT)])

    @pl.when(c != 0)
    def _():
        pltpu.sync_copy(zeros_hbm, acc.at[pl.ds(s * RPT, RPT)])

    plsc.subcore_barrier()
    pltpu.sync_copy(zeros_hbm.at[pl.ds(0, CW)], rows[2])

    for h in range(2):
        pltpu.sync_copy(src_hbm.at[pl.ds(wid * CPW + h * HR, HR)],
                        srcv.at[pl.ds(0, HR)])
        pltpu.sync_copy(dst_hbm.at[pl.ds(wid * CPW + h * HR, HR)],
                        dstv.at[pl.ds(0, HR)])
        pltpu.async_copy(hp_hbm.at[srcv.at[0]], rows[0], gsem[0])
        pltpu.async_copy(hp_hbm.at[srcv.at[1]], rows[1], gsem[1])
        pltpu.async_copy(rows[2], acc.at[dstv.at[0]], ssem[2], add=True)

        def body(j3, carry):
            for k in range(3):
                m = j3 * 3 + k
                pltpu.make_async_copy(
                    hp_hbm.at[srcv.at[m]], rows[k], gsem[k]).wait()
                pltpu.async_copy(rows[k], acc.at[dstv.at[m]], ssem[k],
                                 add=True)
                kn = (k + 2) % 3
                pltpu.make_async_copy(
                    rows[kn], acc.at[dstv.at[0]], ssem[kn]).wait()
                nxt = jnp.minimum(m + 2, HR - 1)
                pltpu.async_copy(hp_hbm.at[srcv.at[nxt]], rows[kn], gsem[kn])
            return carry

        lax.fori_loop(0, HR // 3, body, 0)
        pltpu.make_async_copy(
            hp_hbm.at[srcv.at[HR - 1]], rows[0], gsem[0]).wait()
        pltpu.make_async_copy(
            hp_hbm.at[srcv.at[HR - 1]], rows[1], gsem[1]).wait()
        pltpu.make_async_copy(rows[2], acc.at[dstv.at[0]], ssem[2]).wait()
        if h == 0:
            pltpu.sync_copy(zeros_hbm.at[pl.ds(0, CW)], rows[2])

    @pl.when(wid < XW)
    def _():
        pltpu.sync_copy(src_hbm.at[pl.ds(NW * CPW + wid, 1)],
                        srcv.at[pl.ds(HR, 1)])
        pltpu.sync_copy(dst_hbm.at[pl.ds(NW * CPW + wid, 1)],
                        dstv.at[pl.ds(HR, 1)])
        pltpu.async_copy(hp_hbm.at[srcv.at[HR]], rows[0], gsem[0]).wait()
        pltpu.sync_copy(rows[0], acc.at[dstv.at[HR]], add=True)

    plsc.subcore_barrier()
    pltpu.sync_copy(acc.at[pl.ds(s * RPT, RPT)],
                    acc_out.at[c, pl.ds(s * RPT, RPT)])


_BLK = 1000


def _scale_mm_body(x_ref, wt_ref, deg_ref, hp_ref):
    deg = deg_ref[0, :, 0:1] + deg_ref[1, :, 0:1] + 1.0
    dis = jnp.broadcast_to(lax.rsqrt(deg), (_BLK, DP))
    h = jnp.dot(x_ref[...], wt_ref[...], preferred_element_type=jnp.float32)
    hp_ref[...] = dis * h


_scale_mm = pl.pallas_call(
    _scale_mm_body,
    grid=(N // _BLK,),
    in_specs=[
        pl.BlockSpec((_BLK, IN_DIM), lambda i: (i, 0)),
        pl.BlockSpec((IN_DIM, DP), lambda i: (0, 0)),
        pl.BlockSpec((NC, _BLK, 16), lambda i: (0, i, 0)),
    ],
    out_specs=pl.BlockSpec((_BLK, DP), lambda i: (i, 0)),
    out_shape=jax.ShapeDtypeStruct((N, DP), jnp.float32),
)


def _epilogue_body(acc_ref, deg_ref, b_ref, out_ref):
    deg = deg_ref[0, :, 0:1] + deg_ref[1, :, 0:1] + 1.0
    dis = lax.rsqrt(deg)
    agg = acc_ref[0] + acc_ref[1]
    out_ref[...] = (dis * agg)[:, :OUT_DIM] + b_ref[0:1, :OUT_DIM]


_epilogue = pl.pallas_call(
    _epilogue_body,
    grid=(N // _BLK,),
    in_specs=[
        pl.BlockSpec((NC, _BLK, DP), lambda i: (0, i, 0)),
        pl.BlockSpec((NC, _BLK, 16), lambda i: (0, i, 0)),
        pl.BlockSpec((8, DP), lambda i: (0, 0)),
    ],
    out_specs=pl.BlockSpec((_BLK, OUT_DIM), lambda i: (i, 0)),
    out_shape=jax.ShapeDtypeStruct((N, OUT_DIM), jnp.float32),
)


@jax.jit
def kernel(x, edge_index, W, b):
    src2 = edge_index[0].astype(jnp.int32).reshape(ROWS, CW)
    dst2 = edge_index[1].astype(jnp.int32).reshape(ROWS, CW)

    wt_p = jnp.pad(W.T, ((0, 0), (0, DP - OUT_DIM)))
    b_p = jnp.broadcast_to(jnp.pad(b, (0, DP - OUT_DIM))[None, :], (8, DP))

    zeros16 = jnp.zeros((RPT, 16), jnp.float32)
    ones16 = jnp.ones((CW, 16), jnp.float32)
    zerosDP = jnp.zeros((RPT, DP), jnp.float32)

    deg_kernel, edge_kernel = _sc_kernels()
    deg2 = deg_kernel(dst2, zeros16, ones16)
    hp = _scale_mm(x, wt_p, deg2)
    acc2 = edge_kernel(hp, src2, dst2, zerosDP)
    return _epilogue(acc2, deg2, b_p)

# --- scband reference (transcript-rebuilt; emitter-appended) ---
"""Pipeline reference for scband-gcn-yelp-1-13606456394531 (READ-ONLY COPY).

The authoritative reference and input builder live on the scoring server;
editing this copy changes nothing except your own understanding.
"""

import jax, jax.numpy as jnp
import numpy as np

N_NODES = 10000
N_EDGES = 320000
IN_DIM = 128
OUT_DIM = 100


def setup_inputs(seed: int = 0) -> dict:
    key = jax.random.key(seed)
    k1, k2, k3, k4 = jax.random.split(key, 4)
    x = jax.random.normal(k1, (N_NODES, IN_DIM), dtype=jnp.float32)
    edge_index = jax.random.randint(k2, (2, N_EDGES), 0, N_NODES, dtype=jnp.int64)
    # GCNConv parameters: weight [out_dim, in_dim] (glorot), bias [out_dim] (zeros in PyG, use small rand here)
    limit = float(np.sqrt(6.0 / (IN_DIM + OUT_DIM)))
    W = jax.random.uniform(k3, (OUT_DIM, IN_DIM), minval=-limit, maxval=limit, dtype=jnp.float32)
    b = jnp.zeros((OUT_DIM,), dtype=jnp.float32)
    return {"x": x, "edge_index": edge_index, "W": W, "b": b}


def reference(x, edge_index, W, b):
    # Faithful GCNConv (Kipf & Welling) as used by PyG with default settings:
    # 1) add self-loops, 2) symmetric normalization deg^{-1/2} A deg^{-1/2},
    # 3) linear transform, 4) sum aggregation over incoming edges, 5) bias.
    N = x.shape[0]
    src = edge_index[0]
    dst = edge_index[1]
    loop = jnp.arange(N, dtype=src.dtype)
    src = jnp.concatenate([src, loop])
    dst = jnp.concatenate([dst, loop])
    # degree computed on target (col) index with unit edge weights
    deg = jnp.zeros((N,), dtype=x.dtype).at[dst].add(1.0)
    deg_inv_sqrt = jnp.where(deg > 0, 1.0 / jnp.sqrt(deg), 0.0)
    norm = deg_inv_sqrt[src] * deg_inv_sqrt[dst]
    # linear transform
    h = x @ W.T
    # message passing: gather from source, scale, scatter-add to destination
    msg = h[src] * norm[:, None]
    out = jnp.zeros((N, W.shape[0]), dtype=x.dtype).at[dst].add(msg)
    out = out + b
    return out

if __name__ == "__main__":
    import jax
    _d = setup_inputs()
    print(jax.jit(kernel)(*tuple(_d.values())))

</pallas_src>

<mosaic_0001>
#map = affine_map<(d0, d1) -> (0, 0)>
#map1 = affine_map<(d0, d1) -> (0, 0, 0)>
module attributes {stable_mosaic.version = 14 : i64} {
  func.func @_edge_body(%arg0: i32, %arg1: i32, %arg2: memref<10000x112xf32, #tpu.memory_space<hbm>>, %arg3: memref<2500x128xi32, #tpu.memory_space<hbm>>, %arg4: memref<2500x128xi32, #tpu.memory_space<hbm>>, %arg5: memref<625x112xf32, #tpu.memory_space<hbm>>, %arg6: memref<2x10000x112xf32, #tpu.memory_space<hbm>>, %arg7: memref<40x128xi32, #tpu.memory_space<vmem>>, %arg8: memref<40x128xi32, #tpu.memory_space<vmem>>, %arg9: memref<128x112xf32, #tpu.memory_space<vmem>>, %arg10: memref<128x112xf32, #tpu.memory_space<vmem>>, %arg11: memref<128x112xf32, #tpu.memory_space<vmem>>, %arg12: memref<10000x112xf32, #tpu.memory_space<vmem_shared>>, %arg13: memref<!tpu.dma_semaphore, #tpu.memory_space<semaphore_mem>>, %arg14: memref<!tpu.dma_semaphore, #tpu.memory_space<semaphore_mem>>, %arg15: memref<!tpu.dma_semaphore, #tpu.memory_space<semaphore_mem>>, %arg16: memref<!tpu.dma_semaphore, #tpu.memory_space<semaphore_mem>>, %arg17: memref<!tpu.dma_semaphore, #tpu.memory_space<semaphore_mem>>, %arg18: memref<!tpu.dma_semaphore, #tpu.memory_space<semaphore_mem>>) attributes {dimension_semantics = [#tpu.dimension_semantics<core_parallel>, #tpu.dimension_semantics<subcore_parallel>], iteration_bounds = array<i64: 2, 16>, scalar_prefetch = 0 : i64, scratch_operands = 12 : i64, tpu.core_type = #tpu.core_type<sc_vector_subcore>, window_params = [{transform_indices = #map}, {transform_indices = #map}, {transform_indices = #map}, {transform_indices = #map}, {transform_indices = #map1}]} {
    %mul3A = arith.constant 2 : i32
    %mul3A_0 = arith.muli %arg1, %mul3A : i32
    %add3A = arith.addi %mul3A_0, %arg0 : i32
    %eq3A = arith.constant 0 : i32
    %eq3A_1 = arith.cmpi eq, %arg0, %eq3A : i32
    %convert_element_type3A = arith.extui %eq3A_1 : i1 to i32
    %cond3A = arith.constant 0 : i32
    %cond3A_2 = arith.cmpi ne, %convert_element_type3A, %cond3A : i32
    scf.if %cond3A_2 {
      %mul3A_125 = arith.constant 625 : i32
      %mul3A_126 = arith.muli %arg1, %mul3A_125 : i32
      %mul3A_127 = arith.constant 625 : i32
      %mul3A_128 = arith.muli %arg1, %mul3A_127 : i32
      "tpu.region"() ({
        %run_scoped3A = tpu.sem_alloc : memref<!tpu.dma_semaphore, #tpu.memory_space<semaphore_mem>>
        %dma_start3A_129 = arith.constant 0 : i32
        %dma_start3A_130 = tpu.memref_slice %arg12[%mul3A_128, %dma_start3A_129] : memref<10000x112xf32, #tpu.memory_space<vmem_shared>> -> memref<625x112xf32, #tpu.memory_space<vmem_shared>>
        %dma_start3A_131 = arith.constant 0 : i32
        %dma_start3A_132 = tpu.memref_slice %arg2[%mul3A_126, %dma_start3A_131] : memref<10000x112xf32, #tpu.memory_space<hbm>> -> memref<625x112xf32, #tpu.memory_space<hbm>>
        tpu.enqueue_dma source(%dma_start3A_132 : memref<625x112xf32, #tpu.memory_space<hbm>>) target(%dma_start3A_130 : memref<625x112xf32, #tpu.memory_space<vmem_shared>>) target_semaphore(%run_scoped3A : memref<!tpu.dma_semaphore, #tpu.memory_space<semaphore_mem>>)
        %dma_wait3A_133 = arith.constant 0 : i32
        %dma_wait3A_134 = tpu.memref_slice %arg12[%mul3A_128, %dma_wait3A_133] : memref<10000x112xf32, #tpu.memory_space<vmem_shared>> -> memref<625x112xf32, #tpu.memory_space<vmem_shared>>
        %dma_wait3A_135 = arith.constant 0 : i32
        %dma_wait3A_136 = tpu.memref_slice %arg2[%mul3A_126, %dma_wait3A_135] : memref<10000x112xf32, #tpu.memory_space<hbm>> -> memref<625x112xf32, #tpu.memory_space<hbm>>
        tpu.wait_dma2 semaphore(%run_scoped3A : memref<!tpu.dma_semaphore, #tpu.memory_space<semaphore_mem>>) src(%dma_wait3A_136 : memref<625x112xf32, #tpu.memory_space<hbm>>) dst(%dma_wait3A_134 : memref<625x112xf32, #tpu.memory_space<vmem_shared>>)
        tpu.yield
      }) : () -> ()
    } else {
    }
    %ne3A = arith.constant 0 : i32
    %ne3A_3 = arith.cmpi ne, %arg0, %ne3A : i32
    %convert_element_type3A_4 = arith.extui %ne3A_3 : i1 to i32
    %cond3A_5 = arith.constant 0 : i32
    %cond3A_6 = arith.cmpi ne, %convert_element_type3A_4, %cond3A_5 : i32
    scf.if %cond3A_6 {
      %mul3A_125 = arith.constant 625 : i32
      %mul3A_126 = arith.muli %arg1, %mul3A_125 : i32
      "tpu.region"() ({
        %run_scoped3A = tpu.sem_alloc : memref<!tpu.dma_semaphore, #tpu.memory_space<semaphore_mem>>
        %dma_start3A_127 = arith.constant 0 : i32
        %dma_start3A_128 = tpu.memref_slice %arg12[%mul3A_126, %dma_start3A_127] : memref<10000x112xf32, #tpu.memory_space<vmem_shared>> -> memref<625x112xf32, #tpu.memory_space<vmem_shared>>
        tpu.enqueue_dma source(%arg5 : memref<625x112xf32, #tpu.memory_space<hbm>>) target(%dma_start3A_128 : memref<625x112xf32, #tpu.memory_space<vmem_shared>>) target_semaphore(%run_scoped3A : memref<!tpu.dma_semaphore, #tpu.memory_space<semaphore_mem>>)
        %dma_wait3A_129 = arith.constant 0 : i32
        %dma_wait3A_130 = tpu.memref_slice %arg12[%mul3A_126, %dma_wait3A_129] : memref<10000x112xf32, #tpu.memory_space<vmem_shared>> -> memref<625x112xf32, #tpu.memory_space<vmem_shared>>
        tpu.wait_dma2 semaphore(%run_scoped3A : memref<!tpu.dma_semaphore, #tpu.memory_space<semaphore_mem>>) src(%arg5 : memref<625x112xf32, #tpu.memory_space<hbm>>) dst(%dma_wait3A_130 : memref<625x112xf32, #tpu.memory_space<vmem_shared>>)
        tpu.yield
      }) : () -> ()
    } else {
    }
    %barrier3A = arith.constant 0 : index
    tpu.barrier barrier_id(%barrier3A)
    "tpu.region"() ({
      %run_scoped3A = tpu.sem_alloc : memref<!tpu.dma_semaphore, #tpu.memory_space<semaphore_mem>>
      %dma_start3A_125 = arith.constant 0 : i32
      %dma_start3A_126 = arith.constant 0 : i32
      %dma_start3A_127 = tpu.memref_slice %arg5[%dma_start3A_125, %dma_start3A_126] : memref<625x112xf32, #tpu.memory_space<hbm>> -> memref<128x112xf32, #tpu.memory_space<hbm>>
      %dma_start3A_128 = arith.constant 0 : i32
      %dma_start3A_129 = arith.constant 0 : i32
      %dma_start3A_130 = tpu.memref_slice %arg5[%dma_start3A_128, %dma_start3A_129] : memref<625x112xf32, #tpu.memory_space<hbm>> -> memref<128x112xf32, #tpu.memory_space<hbm>>
      tpu.enqueue_dma source(%dma_start3A_130 : memref<128x112xf32, #tpu.memory_space<hbm>>) target(%arg11 : memref<128x112xf32, #tpu.memory_space<vmem>>) target_semaphore(%run_scoped3A : memref<!tpu.dma_semaphore, #tpu.memory_space<semaphore_mem>>)
      %dma_wait3A_131 = arith.constant 0 : i32
      %dma_wait3A_132 = arith.constant 0 : i32
      %dma_wait3A_133 = tpu.memref_slice %arg5[%dma_wait3A_131, %dma_wait3A_132] : memref<625x112xf32, #tpu.memory_space<hbm>> -> memref<128x112xf32, #tpu.memory_space<hbm>>
      %dma_wait3A_134 = arith.constant 0 : i32
      %dma_wait3A_135 = arith.constant 0 : i32
      %dma_wait3A_136 = tpu.memref_slice %arg5[%dma_wait3A_134, %dma_wait3A_135] : memref<625x112xf32, #tpu.memory_space<hbm>> -> memref<128x112xf32, #tpu.memory_space<hbm>>
      tpu.wait_dma2 semaphore(%run_scoped3A : memref<!tpu.dma_semaphore, #tpu.memory_space<semaphore_mem>>) src(%dma_wait3A_136 : memref<128x112xf32, #tpu.memory_space<hbm>>) dst(%arg11 : memref<128x112xf32, #tpu.memory_space<vmem>>)
      tpu.yield
    }) : () -> ()
    %mul3A_7 = arith.constant 78 : i32
    %mul3A_8 = arith.muli %add3A, %mul3A_7 : i32
    %add3A_9 = arith.constant 0 : i32
    %add3A_10 = arith.addi %mul3A_8, %add3A_9 : i32
    "tpu.region"() ({
      %run_scoped3A = tpu.sem_alloc : memref<!tpu.dma_semaphore, #tpu.memory_space<semaphore_mem>>
      %dma_start3A_125 = arith.constant 0 : i32
      %dma_start3A_126 = arith.constant 0 : i32
      %dma_start3A_127 = tpu.memref_slice %arg7[%dma_start3A_125, %dma_start3A_126] : memref<40x128xi32, #tpu.memory_space<vmem>> -> memref<39x128xi32, #tpu.memory_space<vmem>>
      %dma_start3A_128 = arith.constant 0 : i32
      %dma_start3A_129 = tpu.memref_slice %arg3[%add3A_10, %dma_start3A_128] : memref<2500x128xi32, #tpu.memory_space<hbm>> -> memref<39x128xi32, #tpu.memory_space<hbm>>
      %dma_start3A_130 = arith.constant 0 : i32
      %dma_start3A_131 = arith.constant 0 : i32
      %dma_start3A_132 = tpu.memref_slice %arg7[%dma_start3A_130, %dma_start3A_131] : memref<40x128xi32, #tpu.memory_space<vmem>> -> memref<39x128xi32, #tpu.memory_space<vmem>>
      %dma_start3A_133 = arith.constant 0 : i32
      %dma_start3A_134 = tpu.memref_slice %arg3[%add3A_10, %dma_start3A_133] : memref<2500x128xi32, #tpu.memory_space<hbm>> -> memref<39x128xi32, #tpu.memory_space<hbm>>
      tpu.enqueue_dma source(%dma_start3A_134 : memref<39x128xi32, #tpu.memory_space<hbm>>) target(%dma_start3A_132 : memref<39x128xi32, #tpu.memory_space<vmem>>) target_semaphore(%run_scoped3A : memref<!tpu.dma_semaphore, #tpu.memory_space<semaphore_mem>>)
      %dma_wait3A_135 = arith.constant 0 : i32
      %dma_wait3A_136 = arith.constant 0 : i32
      %dma_wait3A_137 = tpu.memref_slice %arg7[%dma_wait3A_135, %dma_wait3A_136] : memref<40x128xi32, #tpu.memory_space<vmem>> -> memref<39x128xi32, #tpu.memory_space<vmem>>
      %dma_wait3A_138 = arith.constant 0 : i32
      %dma_wait3A_139 = tpu.memref_slice %arg3[%add3A_10, %dma_wait3A_138] : memref<2500x128xi32, #tpu.memory_space<hbm>> -> memref<39x128xi32, #tpu.memory_space<hbm>>
      %dma_wait3A_140 = arith.constant 0 : i32
      %dma_wait3A_141 = arith.constant 0 : i32
      %dma_wait3A_142 = tpu.memref_slice %arg7[%dma_wait3A_140, %dma_wait3A_141] : memref<40x128xi32, #tpu.memory_space<vmem>> -> memref<39x128xi32, #tpu.memory_space<vmem>>
      %dma_wait3A_143 = arith.constant 0 : i32
      %dma_wait3A_144 = tpu.memref_slice %arg3[%add3A_10, %dma_wait3A_143] : memref<2500x128xi32, #tpu.memory_space<hbm>> -> memref<39x128xi32, #tpu.memory_space<hbm>>
      tpu.wait_dma2 semaphore(%run_scoped3A : memref<!tpu.dma_semaphore, #tpu.memory_space<semaphore_mem>>) src(%dma_wait3A_144 : memref<39x128xi32, #tpu.memory_space<hbm>>) dst(%dma_wait3A_142 : memref<39x128xi32, #tpu.memory_space<vmem>>)
      tpu.yield
    }) : () -> ()
    %mul3A_11 = arith.constant 78 : i32
    %mul3A_12 = arith.muli %add3A, %mul3A_11 : i32
    %add3A_13 = arith.constant 0 : i32
    %add3A_14 = arith.addi %mul3A_12, %add3A_13 : i32
    "tpu.region"() ({
      %run_scoped3A = tpu.sem_alloc : memref<!tpu.dma_semaphore, #tpu.memory_space<semaphore_mem>>
      %dma_start3A_125 = arith.constant 0 : i32
      %dma_start3A_126 = arith.constant 0 : i32
      %dma_start3A_127 = tpu.memref_slice %arg8[%dma_start3A_125, %dma_start3A_126] : memref<40x128xi32, #tpu.memory_space<vmem>> -> memref<39x128xi32, #tpu.memory_space<vmem>>
      %dma_start3A_128 = arith.constant 0 : i32
      %dma_start3A_129 = tpu.memref_slice %arg4[%add3A_14, %dma_start3A_128] : memref<2500x128xi32, #tpu.memory_space<hbm>> -> memref<39x128xi32, #tpu.memory_space<hbm>>
      %dma_start3A_130 = arith.constant 0 : i32
      %dma_start3A_131 = arith.constant 0 : i32
      %dma_start3A_132 = tpu.memref_slice %arg8[%dma_start3A_130, %dma_start3A_131] : memref<40x128xi32, #tpu.memory_space<vmem>> -> memref<39x128xi32, #tpu.memory_space<vmem>>
      %dma_start3A_133 = arith.constant 0 : i32
      %dma_start3A_134 = tpu.memref_slice %arg4[%add3A_14, %dma_start3A_133] : memref<2500x128xi32, #tpu.memory_space<hbm>> -> memref<39x128xi32, #tpu.memory_space<hbm>>
      tpu.enqueue_dma source(%dma_start3A_134 : memref<39x128xi32, #tpu.memory_space<hbm>>) target(%dma_start3A_132 : memref<39x128xi32, #tpu.memory_space<vmem>>) target_semaphore(%run_scoped3A : memref<!tpu.dma_semaphore, #tpu.memory_space<semaphore_mem>>)
      %dma_wait3A_135 = arith.constant 0 : i32
      %dma_wait3A_136 = arith.constant 0 : i32
      %dma_wait3A_137 = tpu.memref_slice %arg8[%dma_wait3A_135, %dma_wait3A_136] : memref<40x128xi32, #tpu.memory_space<vmem>> -> memref<39x128xi32, #tpu.memory_space<vmem>>
      %dma_wait3A_138 = arith.constant 0 : i32
      %dma_wait3A_139 = tpu.memref_slice %arg4[%add3A_14, %dma_wait3A_138] : memref<2500x128xi32, #tpu.memory_space<hbm>> -> memref<39x128xi32, #tpu.memory_space<hbm>>
      %dma_wait3A_140 = arith.constant 0 : i32
      %dma_wait3A_141 = arith.constant 0 : i32
      %dma_wait3A_142 = tpu.memref_slice %arg8[%dma_wait3A_140, %dma_wait3A_141] : memref<40x128xi32, #tpu.memory_space<vmem>> -> memref<39x128xi32, #tpu.memory_space<vmem>>
      %dma_wait3A_143 = arith.constant 0 : i32
      %dma_wait3A_144 = tpu.memref_slice %arg4[%add3A_14, %dma_wait3A_143] : memref<2500x128xi32, #tpu.memory_space<hbm>> -> memref<39x128xi32, #tpu.memory_space<hbm>>
      tpu.wait_dma2 semaphore(%run_scoped3A : memref<!tpu.dma_semaphore, #tpu.memory_space<semaphore_mem>>) src(%dma_wait3A_144 : memref<39x128xi32, #tpu.memory_space<hbm>>) dst(%dma_wait3A_142 : memref<39x128xi32, #tpu.memory_space<vmem>>)
      tpu.yield
    }) : () -> ()
    %dma_start3A = arith.constant 0 : i32
    %dma_start3A_15 = arith.constant 0 : i32
    %dma_start3A_16 = tpu.memref_slice %arg7[%dma_start3A, %dma_start3A_15] : memref<40x128xi32, #tpu.memory_space<vmem>> -> memref<1x128xi32, #tpu.memory_space<vmem>>
    %dma_start3A_17 = tpu.memref_squeeze %dma_start3A_16 : memref<1x128xi32, #tpu.memory_space<vmem>> -> memref<128xi32, #tpu.memory_space<vmem>>
    %dma_start3A_18 = arith.constant 0 : i32
    %dma_start3A_19 = arith.constant 0 : i32
    %dma_start3A_20 = tpu.memref_slice %arg2[%dma_start3A_18, %dma_start3A_19] : memref<10000x112xf32, #tpu.memory_space<hbm>> -> memref<10000x112xf32, #tpu.memory_space<hbm>>
    tpu.enqueue_indirect_dma source(%dma_start3A_20 : memref<10000x112xf32, #tpu.memory_space<hbm>>) target(%arg9 : memref<128x112xf32, #tpu.memory_space<vmem>>) offsets(%dma_start3A_17 : memref<128xi32, #tpu.memory_space<vmem>>) semaphore(%arg13 : memref<!tpu.dma_semaphore, #tpu.memory_space<semaphore_mem>>)
    %dma_start3A_21 = arith.constant 1 : i32
    %dma_start3A_22 = arith.constant 0 : i32
    %dma_start3A_23 = tpu.memref_slice %arg7[%dma_start3A_21, %dma_start3A_22] : memref<40x128xi32, #tpu.memory_space<vmem>> -> memref<1x128xi32, #tpu.memory_space<vmem>>
    %dma_start3A_24 = tpu.memref_squeeze %dma_start3A_23 : memref<1x128xi32, #tpu.memory_space<vmem>> -> memref<128xi32, #tpu.memory_space<vmem>>
    %dma_start3A_25 = arith.constant 0 : i32
    %dma_start3A_26 = arith.constant 0 : i32
    %dma_start3A_27 = tpu.memref_slice %arg2[%dma_start3A_25, %dma_start3A_26] : memref<10000x112xf32, #tpu.memory_space<hbm>> -> memref<10000x112xf32, #tpu.memory_space<hbm>>
    tpu.enqueue_indirect_dma source(%dma_start3A_27 : memref<10000x112xf32, #tpu.memory_space<hbm>>) target(%arg10 : memref<128x112xf32, #tpu.memory_space<vmem>>) offsets(%dma_start3A_24 : memref<128xi32, #tpu.memory_space<vmem>>) semaphore(%arg14 : memref<!tpu.dma_semaphore, #tpu.memory_space<semaphore_mem>>)
    %dma_start3A_28 = arith.constant 0 : i32
    %dma_start3A_29 = arith.constant 0 : i32
    %dma_start3A_30 = tpu.memref_slice %arg8[%dma_start3A_28, %dma_start3A_29] : memref<40x128xi32, #tpu.memory_space<vmem>> -> memref<1x128xi32, #tpu.memory_space<vmem>>
    %dma_start3A_31 = tpu.memref_squeeze %dma_start3A_30 : memref<1x128xi32, #tpu.memory_space<vmem>> -> memref<128xi32, #tpu.memory_space<vmem>>
    %dma_start3A_32 = arith.constant 0 : i32
    %dma_start3A_33 = arith.constant 0 : i32
    %dma_start3A_34 = tpu.memref_slice %arg12[%dma_start3A_32, %dma_start3A_33] : memref<10000x112xf32, #tpu.memory_space<vmem_shared>> -> memref<10000x112xf32, #tpu.memory_space<vmem_shared>>
    tpu.enqueue_indirect_dma source(%arg11 : memref<128x112xf32, #tpu.memory_space<vmem>>) target(%dma_start3A_34 : memref<10000x112xf32, #tpu.memory_space<vmem_shared>>) offsets(%dma_start3A_31 : memref<128xi32, #tpu.memory_space<vmem>>) semaphore(%arg18 : memref<!tpu.dma_semaphore, #tpu.memory_space<semaphore_mem>>) {add = true}
    %scan3A = arith.constant 0 : i32
    %scan3A_35 = arith.constant 0 : i32
    %scan3A_36 = arith.constant 13 : i32
    %scan3A_37 = arith.addi %scan3A_35, %scan3A_36 : i32
    %scan3A_38 = arith.constant 1 : i32
    scf.for %scan3A_125 = %scan3A_35 to %scan3A_37 step %scan3A_38  : i32 {
      %mul3A_126 = arith.constant 3 : i32
      %mul3A_127 = arith.muli %scan3A_125, %mul3A_126 : i32
      %add3A_128 = arith.constant 0 : i32
      %add3A_129 = arith.addi %mul3A_127, %add3A_128 : i32
      %dma_wait3A_130 = arith.constant 0 : i32
      %dma_wait3A_131 = tpu.memref_slice %arg7[%add3A_129, %dma_wait3A_130] : memref<40x128xi32, #tpu.memory_space<vmem>> -> memref<1x128xi32, #tpu.memory_space<vmem>>
      %dma_wait3A_132 = tpu.memref_squeeze %dma_wait3A_131 : memref<1x128xi32, #tpu.memory_space<vmem>> -> memref<128xi32, #tpu.memory_space<vmem>>
      %dma_wait3A_133 = arith.constant 0 : i32
      %dma_wait3A_134 = arith.constant 0 : i32
      %dma_wait3A_135 = tpu.memref_slice %arg2[%dma_wait3A_133, %dma_wait3A_134] : memref<10000x112xf32, #tpu.memory_space<hbm>> -> memref<10000x112xf32, #tpu.memory_space<hbm>>
      tpu.wait_indirect_dma semaphore(%arg13 : memref<!tpu.dma_semaphore, #tpu.memory_space<semaphore_mem>>) src(%dma_wait3A_135 : memref<10000x112xf32, #tpu.memory_space<hbm>>) dst(%arg9 : memref<128x112xf32, #tpu.memory_space<vmem>>)
      %dma_start3A_136 = arith.constant 0 : i32
      %dma_start3A_137 = tpu.memref_slice %arg8[%add3A_129, %dma_start3A_136] : memref<40x128xi32, #tpu.memory_space<vmem>> -> memref<1x128xi32, #tpu.memory_space<vmem>>
      %dma_start3A_138 = tpu.memref_squeeze %dma_start3A_137 : memref<1x128xi32, #tpu.memory_space<vmem>> -> memref<128xi32, #tpu.memory_space<vmem>>
      %dma_start3A_139 = arith.constant 0 : i32
      %dma_start3A_140 = arith.constant 0 : i32
      %dma_start3A_141 = tpu.memref_slice %arg12[%dma_start3A_139, %dma_start3A_140] : memref<10000x112xf32, #tpu.memory_space<vmem_shared>> -> memref<10000x112xf32, #tpu.memory_space<vmem_shared>>
      tpu.enqueue_indirect_dma source(%arg9 : memref<128x112xf32, #tpu.memory_space<vmem>>) target(%dma_start3A_141 : memref<10000x112xf32, #tpu.memory_space<vmem_shared>>) offsets(%dma_start3A_138 : memref<128xi32, #tpu.memory_space<vmem>>) semaphore(%arg16 : memref<!tpu.dma_semaphore, #tpu.memory_space<semaphore_mem>>) {add = true}
      %dma_wait3A_142 = arith.constant 0 : i32
      %dma_wait3A_143 = arith.constant 0 : i32
      %dma_wait3A_144 = tpu.memref_slice %arg8[%dma_wait3A_142, %dma_wait3A_143] : memref<40x128xi32, #tpu.memory_space<vmem>> -> memref<1x128xi32, #tpu.memory_space<vmem>>
      %dma_wait3A_145 = tpu.memref_squeeze %dma_wait3A_144 : memref<1x128xi32, #tpu.memory_space<vmem>> -> memref<128xi32, #tpu.memory_space<vmem>>
      %dma_wait3A_146 = arith.constant 0 : i32
      %dma_wait3A_147 = arith.constant 0 : i32
      %dma_wait3A_148 = tpu.memref_slice %arg12[%dma_wait3A_146, %dma_wait3A_147] : memref<10000x112xf32, #tpu.memory_space<vmem_shared>> -> memref<10000x112xf32, #tpu.memory_space<vmem_shared>>
      tpu.wait_indirect_dma semaphore(%arg18 : memref<!tpu.dma_semaphore, #tpu.memory_space<semaphore_mem>>) src(%arg11 : memref<128x112xf32, #tpu.memory_space<vmem>>) dst(%dma_wait3A_148 : memref<10000x112xf32, #tpu.memory_space<vmem_shared>>)
      %add3A_149 = arith.constant 2 : i32
      %add3A_150 = arith.addi %add3A_129, %add3A_149 : i32
      %min3A = arith.constant 38 : i32
      %min3A_151 = arith.minsi %add3A_150, %min3A : i32
      %dma_start3A_152 = arith.constant 0 : i32
      %dma_start3A_153 = tpu.memref_slice %arg7[%min3A_151, %dma_start3A_152] : memref<40x128xi32, #tpu.memory_space<vmem>> -> memref<1x128xi32, #tpu.memory_space<vmem>>
      %dma_start3A_154 = tpu.memref_squeeze %dma_start3A_153 : memref<1x128xi32, #tpu.memory_space<vmem>> -> memref<128xi32, #tpu.memory_space<vmem>>
      %dma_start3A_155 = arith.constant 0 : i32
      %dma_start3A_156 = arith.constant 0 : i32
      %dma_start3A_157 = tpu.memref_slice %arg2[%dma_start3A_155, %dma_start3A_156] : memref<10000x112xf32, #tpu.memory_space<hbm>> -> memref<10000x112xf32, #tpu.memory_space<hbm>>
      tpu.enqueue_indirect_dma source(%dma_start3A_157 : memref<10000x112xf32, #tpu.memory_space<hbm>>) target(%arg11 : memref<128x112xf32, #tpu.memory_space<vmem>>) offsets(%dma_start3A_154 : memref<128xi32, #tpu.memory_space<vmem>>) semaphore(%arg15 : memref<!tpu.dma_semaphore, #tpu.memory_space<semaphore_mem>>)
      %mul3A_158 = arith.constant 3 : i32
      %mul3A_159 = arith.muli %scan3A_125, %mul3A_158 : i32
      %add3A_160 = arith.constant 1 : i32
      %add3A_161 = arith.addi %mul3A_159, %add3A_160 : i32
      %dma_wait3A_162 = arith.constant 0 : i32
      %dma_wait3A_163 = tpu.memref_slice %arg7[%add3A_161, %dma_wait3A_162] : memref<40x128xi32, #tpu.memory_space<vmem>> -> memref<1x128xi32, #tpu.memory_space<vmem>>
      %dma_wait3A_164 = tpu.memref_squeeze %dma_wait3A_163 : memref<1x128xi32, #tpu.memory_space<vmem>> -> memref<128xi32, #tpu.memory_space<vmem>>
      %dma_wait3A_165 = arith.constant 0 : i32
      %dma_wait3A_166 = arith.constant 0 : i32
      %dma_wait3A_167 = tpu.memref_slice %arg2[%dma_wait3A_165, %dma_wait3A_166] : memref<10000x112xf32, #tpu.memory_space<hbm>> -> memref<10000x112xf32, #tpu.memory_space<hbm>>
      tpu.wait_indirect_dma semaphore(%arg14 : memref<!tpu.dma_semaphore, #tpu.memory_space<semaphore_mem>>) src(%dma_wait3A_167 : memref<10000x112xf32, #tpu.memory_space<hbm>>) dst(%arg10 : memref<128x112xf32, #tpu.memory_space<vmem>>)
      %dma_start3A_168 = arith.constant 0 : i32
      %dma_start3A_169 = tpu.memref_slice %arg8[%add3A_161, %dma_start3A_168] : memref<40x128xi32, #tpu.memory_space<vmem>> -> memref<1x128xi32, #tpu.memory_space<vmem>>
      %dma_start3A_170 = tpu.memref_squeeze %dma_start3A_169 : memref<1x128xi32, #tpu.memory_space<vmem>> -> memref<128xi32, #tpu.memory_space<vmem>>
      %dma_start3A_171 = arith.constant 0 : i32
      %dma_start3A_172 = arith.constant 0 : i32
      %dma_start3A_173 = tpu.memref_slice %arg12[%dma_start3A_171, %dma_start3A_172] : memref<10000x112xf32, #tpu.memory_space<vmem_shared>> -> memref<10000x112xf32, #tpu.memory_space<vmem_shared>>
      tpu.enqueue_indirect_dma source(%arg10 : memref<128x112xf32, #tpu.memory_space<vmem>>) target(%dma_start3A_173 : memref<10000x112xf32, #tpu.memory_space<vmem_shared>>) offsets(%dma_start3A_170 : memref<128xi32, #tpu.memory_space<vmem>>) semaphore(%arg17 : memref<!tpu.dma_semaphore, #tpu.memory_space<semaphore_mem>>) {add = true}
      %dma_wait3A_174 = arith.constant 0 : i32
      %dma_wait3A_175 = arith.constant 0 : i32
      %dma_wait3A_176 = tpu.memref_slice %arg8[%dma_wait3A_174, %dma_wait3A_175] : memref<40x128xi32, #tpu.memory_space<vmem>> -> memref<1x128xi32, #tpu.memory_space<vmem>>
      %dma_wait3A_177 = tpu.memref_squeeze %dma_wait3A_176 : memref<1x128xi32, #tpu.memory_space<vmem>> -> memref<128xi32, #tpu.memory_space<vmem>>
      %dma_wait3A_178 = arith.constant 0 : i32
      %dma_wait3A_179 = arith.constant 0 : i32
      %dma_wait3A_180 = tpu.memref_slice %arg12[%dma_wait3A_178, %dma_wait3A_179] : memref<10000x112xf32, #tpu.memory_space<vmem_shared>> -> memref<10000x112xf32, #tpu.memory_space<vmem_shared>>
      tpu.wait_indirect_dma semaphore(%arg16 : memref<!tpu.dma_semaphore, #tpu.memory_space<semaphore_mem>>) src(%arg9 : memref<128x112xf32, #tpu.memory_space<vmem>>) dst(%dma_wait3A_180 : memref<10000x112xf32, #tpu.memory_space<vmem_shared>>)
      %add3A_181 = arith.constant 2 : i32
      %add3A_182 = arith.addi %add3A_161, %add3A_181 : i32
      %min3A_183 = arith.constant 38 : i32
      %min3A_184 = arith.minsi %add3A_182, %min3A_183 : i32
      %dma_start3A_185 = arith.constant 0 : i32
      %dma_start3A_186 = tpu.memref_slice %arg7[%min3A_184, %dma_start3A_185] : memref<40x128xi32, #tpu.memory_space<vmem>> -> memref<1x128xi32, #tpu.memory_space<vmem>>
      %dma_start3A_187 = tpu.memref_squeeze %dma_start3A_186 : memref<1x128xi32, #tpu.memory_space<vmem>> -> memref<128xi32, #tpu.memory_space<vmem>>
      %dma_start3A_188 = arith.constant 0 : i32
      %dma_start3A_189 = arith.constant 0 : i32
      %dma_start3A_190 = tpu.memref_slice %arg2[%dma_start3A_188, %dma_start3A_189] : memref<10000x112xf32, #tpu.memory_space<hbm>> -> memref<10000x112xf32, #tpu.memory_space<hbm>>
      tpu.enqueue_indirect_dma source(%dma_start3A_190 : memref<10000x112xf32, #tpu.memory_space<hbm>>) target(%arg9 : memref<128x112xf32, #tpu.memory_space<vmem>>) offsets(%dma_start3A_187 : memref<128xi32, #tpu.memory_space<vmem>>) semaphore(%arg13 : memref<!tpu.dma_semaphore, #tpu.memory_space<semaphore_mem>>)
      %mul3A_191 = arith.constant 3 : i32
      %mul3A_192 = arith.muli %scan3A_125, %mul3A_191 : i32
      %add3A_193 = arith.constant 2 : i32
      %add3A_194 = arith.addi %mul3A_192, %add3A_193 : i32
      %dma_wait3A_195 = arith.constant 0 : i32
      %dma_wait3A_196 = tpu.memref_slice %arg7[%add3A_194, %dma_wait3A_195] : memref<40x128xi32, #tpu.memory_space<vmem>> -> memref<1x128xi32, #tpu.memory_space<vmem>>
      %dma_wait3A_197 = tpu.memref_squeeze %dma_wait3A_196 : memref<1x128xi32, #tpu.memory_space<vmem>> -> memref<128xi32, #tpu.memory_space<vmem>>
      %dma_wait3A_198 = arith.constant 0 : i32
      %dma_wait3A_199 = arith.constant 0 : i32
      %dma_wait3A_200 = tpu.memref_slice %arg2[%dma_wait3A_198, %dma_wait3A_199] : memref<10000x112xf32, #tpu.memory_space<hbm>> -> memref<10000x112xf32, #tpu.memory_space<hbm>>
      tpu.wait_indirect_dma semaphore(%arg15 : memref<!tpu.dma_semaphore, #tpu.memory_space<semaphore_mem>>) src(%dma_wait3A_200 : memref<10000x112xf32, #tpu.memory_space<hbm>>) dst(%arg11 : memref<128x112xf32, #tpu.memory_space<vmem>>)
      %dma_start3A_201 = arith.constant 0 : i32
      %dma_start3A_202 = tpu.memref_slice %arg8[%add3A_194, %dma_start3A_201] : memref<40x128xi32, #tpu.memory_space<vmem>> -> memref<1x128xi32, #tpu.memory_space<vmem>>
      %dma_start3A_203 = tpu.memref_squeeze %dma_start3A_202 : memref<1x128xi32, #tpu.memory_space<vmem>> -> memref<128xi32, #tpu.memory_space<vmem>>
      %dma_start3A_204 = arith.constant 0 : i32
      %dma_start3A_205 = arith.constant 0 : i32
      %dma_start3A_206 = tpu.memref_slice %arg12[%dma_start3A_204, %dma_start3A_205] : memref<10000x112xf32, #tpu.memory_space<vmem_shared>> -> memref<10000x112xf32, #tpu.memory_space<vmem_shared>>
      tpu.enqueue_indirect_dma source(%arg11 : memref<128x112xf32, #tpu.memory_space<vmem>>) target(%dma_start3A_206 : memref<10000x112xf32, #tpu.memory_space<vmem_shared>>) offsets(%dma_start3A_203 : memref<128xi32, #tpu.memory_space<vmem>>) semaphore(%arg18 : memref<!tpu.dma_semaphore, #tpu.memory_space<semaphore_mem>>) {add = true}
      %dma_wait3A_207 = arith.constant 0 : i32
      %dma_wait3A_208 = arith.constant 0 : i32
      %dma_wait3A_209 = tpu.memref_slice %arg8[%dma_wait3A_207, %dma_wait3A_208] : memref<40x128xi32, #tpu.memory_space<vmem>> -> memref<1x128xi32, #tpu.memory_space<vmem>>
      %dma_wait3A_210 = tpu.memref_squeeze %dma_wait3A_209 : memref<1x128xi32, #tpu.memory_space<vmem>> -> memref<128xi32, #tpu.memory_space<vmem>>
      %dma_wait3A_211 = arith.constant 0 : i32
      %dma_wait3A_212 = arith.constant 0 : i32
      %dma_wait3A_213 = tpu.memref_slice %arg12[%dma_wait3A_211, %dma_wait3A_212] : memref<10000x112xf32, #tpu.memory_space<vmem_shared>> -> memref<10000x112xf32, #tpu.memory_space<vmem_shared>>
      tpu.wait_indirect_dma semaphore(%arg17 : memref<!tpu.dma_semaphore, #tpu.memory_space<semaphore_mem>>) src(%arg10 : memref<128x112xf32, #tpu.memory_space<vmem>>) dst(%dma_wait3A_213 : memref<10000x112xf32, #tpu.memory_space<vmem_shared>>)
      %add3A_214 = arith.constant 2 : i32
      %add3A_215 = arith.addi %add3A_194, %add3A_214 : i32
      %min3A_216 = arith.constant 38 : i32
      %min3A_217 = arith.minsi %add3A_215, %min3A_216 : i32
      %dma_start3A_218 = arith.constant 0 : i32
      %dma_start3A_219 = tpu.memref_slice %arg7[%min3A_217, %dma_start3A_218] : memref<40x128xi32, #tpu.memory_space<vmem>> -> memref<1x128xi32, #tpu.memory_space<vmem>>
      %dma_start3A_220 = tpu.memref_squeeze %dma_start3A_219 : memref<1x128xi32, #tpu.memory_space<vmem>> -> memref<128xi32, #tpu.memory_space<vmem>>
      %dma_start3A_221 = arith.constant 0 : i32
      %dma_start3A_222 = arith.constant 0 : i32
      %dma_start3A_223 = tpu.memref_slice %arg2[%dma_start3A_221, %dma_start3A_222] : memref<10000x112xf32, #tpu.memory_space<hbm>> -> memref<10000x112xf32, #tpu.memory_space<hbm>>
      tpu.enqueue_indirect_dma source(%dma_start3A_223 : memref<10000x112xf32, #tpu.memory_space<hbm>>) target(%arg10 : memref<128x112xf32, #tpu.memory_space<vmem>>) offsets(%dma_start3A_220 : memref<128xi32, #tpu.memory_space<vmem>>) semaphore(%arg14 : memref<!tpu.dma_semaphore, #tpu.memory_space<semaphore_mem>>)
    }
    %scan3A_39 = arith.constant 13 : i32
    %dma_wait3A = arith.constant 38 : i32
    %dma_wait3A_40 = arith.constant 0 : i32
    %dma_wait3A_41 = tpu.memref_slice %arg7[%dma_wait3A, %dma_wait3A_40] : memref<40x128xi32, #tpu.memory_space<vmem>> -> memref<1x128xi32, #tpu.memory_space<vmem>>
    %dma_wait3A_42 = tpu.memref_squeeze %dma_wait3A_41 : memref<1x128xi32, #tpu.memory_space<vmem>> -> memref<128xi32, #tpu.memory_space<vmem>>
    %dma_wait3A_43 = arith.constant 0 : i32
    %dma_wait3A_44 = arith.constant 0 : i32
    %dma_wait3A_45 = tpu.memref_slice %arg2[%dma_wait3A_43, %dma_wait3A_44] : memref<10000x112xf32, #tpu.memory_space<hbm>> -> memref<10000x112xf32, #tpu.memory_space<hbm>>
    tpu.wait_indirect_dma semaphore(%arg13 : memref<!tpu.dma_semaphore, #tpu.memory_space<semaphore_mem>>) src(%dma_wait3A_45 : memref<10000x112xf32, #tpu.memory_space<hbm>>) dst(%arg9 : memref<128x112xf32, #tpu.memory_space<vmem>>)
    %dma_wait3A_46 = arith.constant 38 : i32
    %dma_wait3A_47 = arith.constant 0 : i32
    %dma_wait3A_48 = tpu.memref_slice %arg7[%dma_wait3A_46, %dma_wait3A_47] : memref<40x128xi32, #tpu.memory_space<vmem>> -> memref<1x128xi32, #tpu.memory_space<vmem>>
    %dma_wait3A_49 = tpu.memref_squeeze %dma_wait3A_48 : memref<1x128xi32, #tpu.memory_space<vmem>> -> memref<128xi32, #tpu.memory_space<vmem>>
    %dma_wait3A_50 = arith.constant 0 : i32
    %dma_wait3A_51 = arith.constant 0 : i32
    %dma_wait3A_52 = tpu.memref_slice %arg2[%dma_wait3A_50, %dma_wait3A_51] : memref<10000x112xf32, #tpu.memory_space<hbm>> -> memref<10000x112xf32, #tpu.memory_space<hbm>>
    tpu.wait_indirect_dma semaphore(%arg14 : memref<!tpu.dma_semaphore, #tpu.memory_space<semaphore_mem>>) src(%dma_wait3A_52 : memref<10000x112xf32, #tpu.memory_space<hbm>>) dst(%arg10 : memref<128x112xf32, #tpu.memory_space<vmem>>)
    %dma_wait3A_53 = arith.constant 0 : i32
    %dma_wait3A_54 = arith.constant 0 : i32
    %dma_wait3A_55 = tpu.memref_slice %arg8[%dma_wait3A_53, %dma_wait3A_54] : memref<40x128xi32, #tpu.memory_space<vmem>> -> memref<1x128xi32, #tpu.memory_space<vmem>>
    %dma_wait3A_56 = tpu.memref_squeeze %dma_wait3A_55 : memref<1x128xi32, #tpu.memory_space<vmem>> -> memref<128xi32, #tpu.memory_space<vmem>>
    %dma_wait3A_57 = arith.constant 0 : i32
    %dma_wait3A_58 = arith.constant 0 : i32
    %dma_wait3A_59 = tpu.memref_slice %arg12[%dma_wait3A_57, %dma_wait3A_58] : memref<10000x112xf32, #tpu.memory_space<vmem_shared>> -> memref<10000x112xf32, #tpu.memory_space<vmem_shared>>
    tpu.wait_indirect_dma semaphore(%arg18 : memref<!tpu.dma_semaphore, #tpu.memory_space<semaphore_mem>>) src(%arg11 : memref<128x112xf32, #tpu.memory_space<vmem>>) dst(%dma_wait3A_59 : memref<10000x112xf32, #tpu.memory_space<vmem_shared>>)
    "tpu.region"() ({
      %run_scoped3A = tpu.sem_alloc : memref<!tpu.dma_semaphore, #tpu.memory_space<semaphore_mem>>
      %dma_start3A_125 = arith.constant 0 : i32
      %dma_start3A_126 = arith.constant 0 : i32
      %dma_start3A_127 = tpu.memref_slice %arg5[%dma_start3A_125, %dma_start3A_126] : memref<625x112xf32, #tpu.memory_space<hbm>> -> memref<128x112xf32, #tpu.memory_space<hbm>>
      %dma_start3A_128 = arith.constant 0 : i32
      %dma_start3A_129 = arith.constant 0 : i32
      %dma_start3A_130 = tpu.memref_slice %arg5[%dma_start3A_128, %dma_start3A_129] : memref<625x112xf32, #tpu.memory_space<hbm>> -> memref<128x112xf32, #tpu.memory_space<hbm>>
      tpu.enqueue_dma source(%dma_start3A_130 : memref<128x112xf32, #tpu.memory_space<hbm>>) target(%arg11 : memref<128x112xf32, #tpu.memory_space<vmem>>) target_semaphore(%run_scoped3A : memref<!tpu.dma_semaphore, #tpu.memory_space<semaphore_mem>>)
      %dma_wait3A_131 = arith.constant 0 : i32
      %dma_wait3A_132 = arith.constant 0 : i32
      %dma_wait3A_133 = tpu.memref_slice %arg5[%dma_wait3A_131, %dma_wait3A_132] : memref<625x112xf32, #tpu.memory_space<hbm>> -> memref<128x112xf32, #tpu.memory_space<hbm>>
      %dma_wait3A_134 = arith.constant 0 : i32
      %dma_wait3A_135 = arith.constant 0 : i32
      %dma_wait3A_136 = tpu.memref_slice %arg5[%dma_wait3A_134, %dma_wait3A_135] : memref<625x112xf32, #tpu.memory_space<hbm>> -> memref<128x112xf32, #tpu.memory_space<hbm>>
      tpu.wait_dma2 semaphore(%run_scoped3A : memref<!tpu.dma_semaphore, #tpu.memory_space<semaphore_mem>>) src(%dma_wait3A_136 : memref<128x112xf32, #tpu.memory_space<hbm>>) dst(%arg11 : memref<128x112xf32, #tpu.memory_space<vmem>>)
      tpu.yield
    }) : () -> ()
    %mul3A_60 = arith.constant 78 : i32
    %mul3A_61 = arith.muli %add3A, %mul3A_60 : i32
    %add3A_62 = arith.constant 39 : i32
    %add3A_63 = arith.addi %mul3A_61, %add3A_62 : i32
    "tpu.region"() ({
      %run_scoped3A = tpu.sem_alloc : memref<!tpu.dma_semaphore, #tpu.memory_space<semaphore_mem>>
      %dma_start3A_125 = arith.constant 0 : i32
      %dma_start3A_126 = arith.constant 0 : i32
      %dma_start3A_127 = tpu.memref_slice %arg7[%dma_start3A_125, %dma_start3A_126] : memref<40x128xi32, #tpu.memory_space<vmem>> -> memref<39x128xi32, #tpu.memory_space<vmem>>
      %dma_start3A_128 = arith.constant 0 : i32
      %dma_start3A_129 = tpu.memref_slice %arg3[%add3A_63, %dma_start3A_128] : memref<2500x128xi32, #tpu.memory_space<hbm>> -> memref<39x128xi32, #tpu.memory_space<hbm>>
      %dma_start3A_130 = arith.constant 0 : i32
      %dma_start3A_131 = arith.constant 0 : i32
      %dma_start3A_132 = tpu.memref_slice %arg7[%dma_start3A_130, %dma_start3A_131] : memref<40x128xi32, #tpu.memory_space<vmem>> -> memref<39x128xi32, #tpu.memory_space<vmem>>
      %dma_start3A_133 = arith.constant 0 : i32
      %dma_start3A_134 = tpu.memref_slice %arg3[%add3A_63, %dma_start3A_133] : memref<2500x128xi32, #tpu.memory_space<hbm>> -> memref<39x128xi32, #tpu.memory_space<hbm>>
      tpu.enqueue_dma source(%dma_start3A_134 : memref<39x128xi32, #tpu.memory_space<hbm>>) target(%dma_start3A_132 : memref<39x128xi32, #tpu.memory_space<vmem>>) target_semaphore(%run_scoped3A : memref<!tpu.dma_semaphore, #tpu.memory_space<semaphore_mem>>)
      %dma_wait3A_135 = arith.constant 0 : i32
      %dma_wait3A_136 = arith.constant 0 : i32
      %dma_wait3A_137 = tpu.memref_slice %arg7[%dma_wait3A_135, %dma_wait3A_136] : memref<40x128xi32, #tpu.memory_space<vmem>> -> memref<39x128xi32, #tpu.memory_space<vmem>>
      %dma_wait3A_138 = arith.constant 0 : i32
      %dma_wait3A_139 = tpu.memref_slice %arg3[%add3A_63, %dma_wait3A_138] : memref<2500x128xi32, #tpu.memory_space<hbm>> -> memref<39x128xi32, #tpu.memory_space<hbm>>
      %dma_wait3A_140 = arith.constant 0 : i32
      %dma_wait3A_141 = arith.constant 0 : i32
      %dma_wait3A_142 = tpu.memref_slice %arg7[%dma_wait3A_140, %dma_wait3A_141] : memref<40x128xi32, #tpu.memory_space<vmem>> -> memref<39x128xi32, #tpu.memory_space<vmem>>
      %dma_wait3A_143 = arith.constant 0 : i32
      %dma_wait3A_144 = tpu.memref_slice %arg3[%add3A_63, %dma_wait3A_143] : memref<2500x128xi32, #tpu.memory_space<hbm>> -> memref<39x128xi32, #tpu.memory_space<hbm>>
      tpu.wait_dma2 semaphore(%run_scoped3A : memref<!tpu.dma_semaphore, #tpu.memory_space<semaphore_mem>>) src(%dma_wait3A_144 : memref<39x128xi32, #tpu.memory_space<hbm>>) dst(%dma_wait3A_142 : memref<39x128xi32, #tpu.memory_space<vmem>>)
      tpu.yield
    }) : () -> ()
    %mul3A_64 = arith.constant 78 : i32
    %mul3A_65 = arith.muli %add3A, %mul3A_64 : i32
    %add3A_66 = arith.constant 39 : i32
    %add3A_67 = arith.addi %mul3A_65, %add3A_66 : i32
    "tpu.region"() ({
      %run_scoped3A = tpu.sem_alloc : memref<!tpu.dma_semaphore, #tpu.memory_space<semaphore_mem>>
      %dma_start3A_125 = arith.constant 0 : i32
      %dma_start3A_126 = arith.constant 0 : i32
      %dma_start3A_127 = tpu.memref_slice %arg8[%dma_start3A_125, %dma_start3A_126] : memref<40x128xi32, #tpu.memory_space<vmem>> -> memref<39x128xi32, #tpu.memory_space<vmem>>
      %dma_start3A_128 = arith.constant 0 : i32
      %dma_start3A_129 = tpu.memref_slice %arg4[%add3A_67, %dma_start3A_128] : memref<2500x128xi32, #tpu.memory_space<hbm>> -> memref<39x128xi32, #tpu.memory_space<hbm>>
      %dma_start3A_130 = arith.constant 0 : i32
      %dma_start3A_131 = arith.constant 0 : i32
      %dma_start3A_132 = tpu.memref_slice %arg8[%dma_start3A_130, %dma_start3A_131] : memref<40x128xi32, #tpu.memory_space<vmem>> -> memref<39x128xi32, #tpu.memory_space<vmem>>
      %dma_start3A_133 = arith.constant 0 : i32
      %dma_start3A_134 = tpu.memref_slice %arg4[%add3A_67, %dma_start3A_133] : memref<2500x128xi32, #tpu.memory_space<hbm>> -> memref<39x128xi32, #tpu.memory_space<hbm>>
      tpu.enqueue_dma source(%dma_start3A_134 : memref<39x128xi32, #tpu.memory_space<hbm>>) target(%dma_start3A_132 : memref<39x128xi32, #tpu.memory_space<vmem>>) target_semaphore(%run_scoped3A : memref<!tpu.dma_semaphore, #tpu.memory_space<semaphore_mem>>)
      %dma_wait3A_135 = arith.constant 0 : i32
      %dma_wait3A_136 = arith.constant 0 : i32
      %dma_wait3A_137 = tpu.memref_slice %arg8[%dma_wait3A_135, %dma_wait3A_136] : memref<40x128xi32, #tpu.memory_space<vmem>> -> memref<39x128xi32, #tpu.memory_space<vmem>>
      %dma_wait3A_138 = arith.constant 0 : i32
      %dma_wait3A_139 = tpu.memref_slice %arg4[%add3A_67, %dma_wait3A_138] : memref<2500x128xi32, #tpu.memory_space<hbm>> -> memref<39x128xi32, #tpu.memory_space<hbm>>
      %dma_wait3A_140 = arith.constant 0 : i32
      %dma_wait3A_141 = arith.constant 0 : i32
      %dma_wait3A_142 = tpu.memref_slice %arg8[%dma_wait3A_140, %dma_wait3A_141] : memref<40x128xi32, #tpu.memory_space<vmem>> -> memref<39x128xi32, #tpu.memory_space<vmem>>
      %dma_wait3A_143 = arith.constant 0 : i32
      %dma_wait3A_144 = tpu.memref_slice %arg4[%add3A_67, %dma_wait3A_143] : memref<2500x128xi32, #tpu.memory_space<hbm>> -> memref<39x128xi32, #tpu.memory_space<hbm>>
      tpu.wait_dma2 semaphore(%run_scoped3A : memref<!tpu.dma_semaphore, #tpu.memory_space<semaphore_mem>>) src(%dma_wait3A_144 : memref<39x128xi32, #tpu.memory_space<hbm>>) dst(%dma_wait3A_142 : memref<39x128xi32, #tpu.memory_space<vmem>>)
      tpu.yield
    }) : () -> ()
    %dma_start3A_68 = arith.constant 0 : i32
    %dma_start3A_69 = arith.constant 0 : i32
    %dma_start3A_70 = tpu.memref_slice %arg7[%dma_start3A_68, %dma_start3A_69] : memref<40x128xi32, #tpu.memory_space<vmem>> -> memref<1x128xi32, #tpu.memory_space<vmem>>
    %dma_start3A_71 = tpu.memref_squeeze %dma_start3A_70 : memref<1x128xi32, #tpu.memory_space<vmem>> -> memref<128xi32, #tpu.memory_space<vmem>>
    %dma_start3A_72 = arith.constant 0 : i32
    %dma_start3A_73 = arith.constant 0 : i32
    %dma_start3A_74 = tpu.memref_slice %arg2[%dma_start3A_72, %dma_start3A_73] : memref<10000x112xf32, #tpu.memory_space<hbm>> -> memref<10000x112xf32, #tpu.memory_space<hbm>>
    tpu.enqueue_indirect_dma source(%dma_start3A_74 : memref<10000x112xf32, #tpu.memory_space<hbm>>) target(%arg9 : memref<128x112xf32, #tpu.memory_space<vmem>>) offsets(%dma_start3A_71 : memref<128xi32, #tpu.memory_space<vmem>>) semaphore(%arg13 : memref<!tpu.dma_semaphore, #tpu.memory_space<semaphore_mem>>)
    %dma_start3A_75 = arith.constant 1 : i32
    %dma_start3A_76 = arith.constant 0 : i32
    %dma_start3A_77 = tpu.memref_slice %arg7[%dma_start3A_75, %dma_start3A_76] : memref<40x128xi32, #tpu.memory_space<vmem>> -> memref<1x128xi32, #tpu.memory_space<vmem>>
    %dma_start3A_78 = tpu.memref_squeeze %dma_start3A_77 : memref<1x128xi32, #tpu.memory_space<vmem>> -> memref<128xi32, #tpu.memory_space<vmem>>
    %dma_start3A_79 = arith.constant 0 : i32
    %dma_start3A_80 = arith.constant 0 : i32
    %dma_start3A_81 = tpu.memref_slice %arg2[%dma_start3A_79, %dma_start3A_80] : memref<10000x112xf32, #tpu.memory_space<hbm>> -> memref<10000x112xf32, #tpu.memory_space<hbm>>
    tpu.enqueue_indirect_dma source(%dma_start3A_81 : memref<10000x112xf32, #tpu.memory_space<hbm>>) target(%arg10 : memref<128x112xf32, #tpu.memory_space<vmem>>) offsets(%dma_start3A_78 : memref<128xi32, #tpu.memory_space<vmem>>) semaphore(%arg14 : memref<!tpu.dma_semaphore, #tpu.memory_space<semaphore_mem>>)
    %dma_start3A_82 = arith.constant 0 : i32
    %dma_start3A_83 = arith.constant 0 : i32
    %dma_start3A_84 = tpu.memref_slice %arg8[%dma_start3A_82, %dma_start3A_83] : memref<40x128xi32, #tpu.memory_space<vmem>> -> memref<1x128xi32, #tpu.memory_space<vmem>>
    %dma_start3A_85 = tpu.memref_squeeze %dma_start3A_84 : memref<1x128xi32, #tpu.memory_space<vmem>> -> memref<128xi32, #tpu.memory_space<vmem>>
    %dma_start3A_86 = arith.constant 0 : i32
    %dma_start3A_87 = arith.constant 0 : i32
    %dma_start3A_88 = tpu.memref_slice %arg12[%dma_start3A_86, %dma_start3A_87] : memref<10000x112xf32, #tpu.memory_space<vmem_shared>> -> memref<10000x112xf32, #tpu.memory_space<vmem_shared>>
    tpu.enqueue_indirect_dma source(%arg11 : memref<128x112xf32, #tpu.memory_space<vmem>>) target(%dma_start3A_88 : memref<10000x112xf32, #tpu.memory_space<vmem_shared>>) offsets(%dma_start3A_85 : memref<128xi32, #tpu.memory_space<vmem>>) semaphore(%arg18 : memref<!tpu.dma_semaphore, #tpu.memory_space<semaphore_mem>>) {add = true}
    %scan3A_89 = arith.constant 0 : i32
    %scan3A_90 = arith.constant 0 : i32
    %scan3A_91 = arith.constant 13 : i32
    %scan3A_92 = arith.addi %scan3A_90, %scan3A_91 : i32
    %scan3A_93 = arith.constant 1 : i32
    scf.for %scan3A_125 = %scan3A_90 to %scan3A_92 step %scan3A_93  : i32 {
      %mul3A_126 = arith.constant 3 : i32
      %mul3A_127 = arith.muli %scan3A_125, %mul3A_126 : i32
      %add3A_128 = arith.constant 0 : i32
      %add3A_129 = arith.addi %mul3A_127, %add3A_128 : i32
      %dma_wait3A_130 = arith.constant 0 : i32
      %dma_wait3A_131 = tpu.memref_slice %arg7[%add3A_129, %dma_wait3A_130] : memref<40x128xi32, #tpu.memory_space<vmem>> -> memref<1x128xi32, #tpu.memory_space<vmem>>
      %dma_wait3A_132 = tpu.memref_squeeze %dma_wait3A_131 : memref<1x128xi32, #tpu.memory_space<vmem>> -> memref<128xi32, #tpu.memory_space<vmem>>
      %dma_wait3A_133 = arith.constant 0 : i32
      %dma_wait3A_134 = arith.constant 0 : i32
      %dma_wait3A_135 = tpu.memref_slice %arg2[%dma_wait3A_133, %dma_wait3A_134] : memref<10000x112xf32, #tpu.memory_space<hbm>> -> memref<10000x112xf32, #tpu.memory_space<hbm>>
      tpu.wait_indirect_dma semaphore(%arg13 : memref<!tpu.dma_semaphore, #tpu.memory_space<semaphore_mem>>) src(%dma_wait3A_135 : memref<10000x112xf32, #tpu.memory_space<hbm>>) dst(%arg9 : memref<128x112xf32, #tpu.memory_space<vmem>>)
      %dma_start3A_136 = arith.constant 0 : i32
      %dma_start3A_137 = tpu.memref_slice %arg8[%add3A_129, %dma_start3A_136] : memref<40x128xi32, #tpu.memory_space<vmem>> -> memref<1x128xi32, #tpu.memory_space<vmem>>
      %dma_start3A_138 = tpu.memref_squeeze %dma_start3A_137 : memref<1x128xi32, #tpu.memory_space<vmem>> -> memref<128xi32, #tpu.memory_space<vmem>>
      %dma_start3A_139 = arith.constant 0 : i32
      %dma_start3A_140 = arith.constant 0 : i32
      %dma_start3A_141 = tpu.memref_slice %arg12[%dma_start3A_139, %dma_start3A_140] : memref<10000x112xf32, #tpu.memory_space<vmem_shared>> -> memref<10000x112xf32, #tpu.memory_space<vmem_shared>>
      tpu.enqueue_indirect_dma source(%arg9 : memref<128x112xf32, #tpu.memory_space<vmem>>) target(%dma_start3A_141 : memref<10000x112xf32, #tpu.memory_space<vmem_shared>>) offsets(%dma_start3A_138 : memref<128xi32, #tpu.memory_space<vmem>>) semaphore(%arg16 : memref<!tpu.dma_semaphore, #tpu.memory_space<semaphore_mem>>) {add = true}
      %dma_wait3A_142 = arith.constant 0 : i32
      %dma_wait3A_143 = arith.constant 0 : i32
      %dma_wait3A_144 = tpu.memref_slice %arg8[%dma_wait3A_142, %dma_wait3A_143] : memref<40x128xi32, #tpu.memory_space<vmem>> -> memref<1x128xi32, #tpu.memory_space<vmem>>
      %dma_wait3A_145 = tpu.memref_squeeze %dma_wait3A_144 : memref<1x128xi32, #tpu.memory_space<vmem>> -> memref<128xi32, #tpu.memory_space<vmem>>
      %dma_wait3A_146 = arith.constant 0 : i32
      %dma_wait3A_147 = arith.constant 0 : i32
      %dma_wait3A_148 = tpu.memref_slice %arg12[%dma_wait3A_146, %dma_wait3A_147] : memref<10000x112xf32, #tpu.memory_space<vmem_shared>> -> memref<10000x112xf32, #tpu.memory_space<vmem_shared>>
      tpu.wait_indirect_dma semaphore(%arg18 : memref<!tpu.dma_semaphore, #tpu.memory_space<semaphore_mem>>) src(%arg11 : memref<128x112xf32, #tpu.memory_space<vmem>>) dst(%dma_wait3A_148 : memref<10000x112xf32, #tpu.memory_space<vmem_shared>>)
      %add3A_149 = arith.constant 2 : i32
      %add3A_150 = arith.addi %add3A_129, %add3A_149 : i32
      %min3A = arith.constant 38 : i32
      %min3A_151 = arith.minsi %add3A_150, %min3A : i32
      %dma_start3A_152 = arith.constant 0 : i32
      %dma_start3A_153 = tpu.memref_slice %arg7[%min3A_151, %dma_start3A_152] : memref<40x128xi32, #tpu.memory_space<vmem>> -> memref<1x128xi32, #tpu.memory_space<vmem>>
      %dma_start3A_154 = tpu.memref_squeeze %dma_start3A_153 : memref<1x128xi32, #tpu.memory_space<vmem>> -> memref<128xi32, #tpu.memory_space<vmem>>
      %dma_start3A_155 = arith.constant 0 : i32
      %dma_start3A_156 = arith.constant 0 : i32
      %dma_start3A_157 = tpu.memref_slice %arg2[%dma_start3A_155, %dma_start3A_156] : memref<10000x112xf32, #tpu.memory_space<hbm>> -> memref<10000x112xf32, #tpu.memory_space<hbm>>
      tpu.enqueue_indirect_dma source(%dma_start3A_157 : memref<10000x112xf32, #tpu.memory_space<hbm>>) target(%arg11 : memref<128x112xf32, #tpu.memory_space<vmem>>) offsets(%dma_start3A_154 : memref<128xi32, #tpu.memory_space<vmem>>) semaphore(%arg15 : memref<!tpu.dma_semaphore, #tpu.memory_space<semaphore_mem>>)
      %mul3A_158 = arith.constant 3 : i32
      %mul3A_159 = arith.muli %scan3A_125, %mul3A_158 : i32
      %add3A_160 = arith.constant 1 : i32
      %add3A_161 = arith.addi %mul3A_159, %add3A_160 : i32
      %dma_wait3A_162 = arith.constant 0 : i32
      %dma_wait3A_163 = tpu.memref_slice %arg7[%add3A_161, %dma_wait3A_162] : memref<40x128xi32, #tpu.memory_space<vmem>> -> memref<1x128xi32, #tpu.memory_space<vmem>>
      %dma_wait3A_164 = tpu.memref_squeeze %dma_wait3A_163 : memref<1x128xi32, #tpu.memory_space<vmem>> -> memref<128xi32, #tpu.memory_space<vmem>>
      %dma_wait3A_165 = arith.constant 0 : i32
      %dma_wait3A_166 = arith.constant 0 : i32
      %dma_wait3A_167 = tpu.memref_slice %arg2[%dma_wait3A_165, %dma_wait3A_166] : memref<10000x112xf32, #tpu.memory_space<hbm>> -> memref<10000x112xf32, #tpu.memory_space<hbm>>
      tpu.wait_indirect_dma semaphore(%arg14 : memref<!tpu.dma_semaphore, #tpu.memory_space<semaphore_mem>>) src(%dma_wait3A_167 : memref<10000x112xf32, #tpu.memory_space<hbm>>) dst(%arg10 : memref<128x112xf32, #tpu.memory_space<vmem>>)
      %dma_start3A_168 = arith.constant 0 : i32
      %dma_start3A_169 = tpu.memref_slice %arg8[%add3A_161, %dma_start3A_168] : memref<40x128xi32, #tpu.memory_space<vmem>> -> memref<1x128xi32, #tpu.memory_space<vmem>>
      %dma_start3A_170 = tpu.memref_squeeze %dma_start3A_169 : memref<1x128xi32, #tpu.memory_space<vmem>> -> memref<128xi32, #tpu.memory_space<vmem>>
      %dma_start3A_171 = arith.constant 0 : i32
      %dma_start3A_172 = arith.constant 0 : i32
      %dma_start3A_173 = tpu.memref_slice %arg12[%dma_start3A_171, %dma_start3A_172] : memref<10000x112xf32, #tpu.memory_space<vmem_shared>> -> memref<10000x112xf32, #tpu.memory_space<vmem_shared>>
      tpu.enqueue_indirect_dma source(%arg10 : memref<128x112xf32, #tpu.memory_space<vmem>>) target(%dma_start3A_173 : memref<10000x112xf32, #tpu.memory_space<vmem_shared>>) offsets(%dma_start3A_170 : memref<128xi32, #tpu.memory_space<vmem>>) semaphore(%arg17 : memref<!tpu.dma_semaphore, #tpu.memory_space<semaphore_mem>>) {add = true}
      %dma_wait3A_174 = arith.constant 0 : i32
      %dma_wait3A_175 = arith.constant 0 : i32
      %dma_wait3A_176 = tpu.memref_slice %arg8[%dma_wait3A_174, %dma_wait3A_175] : memref<40x128xi32, #tpu.memory_space<vmem>> -> memref<1x128xi32, #tpu.memory_space<vmem>>
      %dma_wait3A_177 = tpu.memref_squeeze %dma_wait3A_176 : memref<1x128xi32, #tpu.memory_space<vmem>> -> memref<128xi32, #tpu.memory_space<vmem>>
      %dma_wait3A_178 = arith.constant 0 : i32
      %dma_wait3A_179 = arith.constant 0 : i32
      %dma_wait3A_180 = tpu.memref_slice %arg12[%dma_wait3A_178, %dma_wait3A_179] : memref<10000x112xf32, #tpu.memory_space<vmem_shared>> -> memref<10000x112xf32, #tpu.memory_space<vmem_shared>>
      tpu.wait_indirect_dma semaphore(%arg16 : memref<!tpu.dma_semaphore, #tpu.memory_space<semaphore_mem>>) src(%arg9 : memref<128x112xf32, #tpu.memory_space<vmem>>) dst(%dma_wait3A_180 : memref<10000x112xf32, #tpu.memory_space<vmem_shared>>)
      %add3A_181 = arith.constant 2 : i32
      %add3A_182 = arith.addi %add3A_161, %add3A_181 : i32
      %min3A_183 = arith.constant 38 : i32
      %min3A_184 = arith.minsi %add3A_182, %min3A_183 : i32
      %dma_start3A_185 = arith.constant 0 : i32
      %dma_start3A_186 = tpu.memref_slice %arg7[%min3A_184, %dma_start3A_185] : memref<40x128xi32, #tpu.memory_space<vmem>> -> memref<1x128xi32, #tpu.memory_space<vmem>>
      %dma_start3A_187 = tpu.memref_squeeze %dma_start3A_186 : memref<1x128xi32, #tpu.memory_space<vmem>> -> memref<128xi32, #tpu.memory_space<vmem>>
      %dma_start3A_188 = arith.constant 0 : i32
      %dma_start3A_189 = arith.constant 0 : i32
      %dma_start3A_190 = tpu.memref_slice %arg2[%dma_start3A_188, %dma_start3A_189] : memref<10000x112xf32, #tpu.memory_space<hbm>> -> memref<10000x112xf32, #tpu.memory_space<hbm>>
      tpu.enqueue_indirect_dma source(%dma_start3A_190 : memref<10000x112xf32, #tpu.memory_space<hbm>>) target(%arg9 : memref<128x112xf32, #tpu.memory_space<vmem>>) offsets(%dma_start3A_187 : memref<128xi32, #tpu.memory_space<vmem>>) semaphore(%arg13 : memref<!tpu.dma_semaphore, #tpu.memory_space<semaphore_mem>>)
      %mul3A_191 = arith.constant 3 : i32
      %mul3A_192 = arith.muli %scan3A_125, %mul3A_191 : i32
      %add3A_193 = arith.constant 2 : i32
      %add3A_194 = arith.addi %mul3A_192, %add3A_193 : i32
      %dma_wait3A_195 = arith.constant 0 : i32
      %dma_wait3A_196 = tpu.memref_slice %arg7[%add3A_194, %dma_wait3A_195] : memref<40x128xi32, #tpu.memory_space<vmem>> -> memref<1x128xi32, #tpu.memory_space<vmem>>
      %dma_wait3A_197 = tpu.memref_squeeze %dma_wait3A_196 : memref<1x128xi32, #tpu.memory_space<vmem>> -> memref<128xi32, #tpu.memory_space<vmem>>
      %dma_wait3A_198 = arith.constant 0 : i32
      %dma_wait3A_199 = arith.constant 0 : i32
      %dma_wait3A_200 = tpu.memref_slice %arg2[%dma_wait3A_198, %dma_wait3A_199] : memref<10000x112xf32, #tpu.memory_space<hbm>> -> memref<10000x112xf32, #tpu.memory_space<hbm>>
      tpu.wait_indirect_dma semaphore(%arg15 : memref<!tpu.dma_semaphore, #tpu.memory_space<semaphore_mem>>) src(%dma_wait3A_200 : memref<10000x112xf32, #tpu.memory_space<hbm>>) dst(%arg11 : memref<128x112xf32, #tpu.memory_space<vmem>>)
      %dma_start3A_201 = arith.constant 0 : i32
      %dma_start3A_202 = tpu.memref_slice %arg8[%add3A_194, %dma_start3A_201] : memref<40x128xi32, #tpu.memory_space<vmem>> -> memref<1x128xi32, #tpu.memory_space<vmem>>
      %dma_start3A_203 = tpu.memref_squeeze %dma_start3A_202 : memref<1x128xi32, #tpu.memory_space<vmem>> -> memref<128xi32, #tpu.memory_space<vmem>>
      %dma_start3A_204 = arith.constant 0 : i32
      %dma_start3A_205 = arith.constant 0 : i32
      %dma_start3A_206 = tpu.memref_slice %arg12[%dma_start3A_204, %dma_start3A_205] : memref<10000x112xf32, #tpu.memory_space<vmem_shared>> -> memref<10000x112xf32, #tpu.memory_space<vmem_shared>>
      tpu.enqueue_indirect_dma source(%arg11 : memref<128x112xf32, #tpu.memory_space<vmem>>) target(%dma_start3A_206 : memref<10000x112xf32, #tpu.memory_space<vmem_shared>>) offsets(%dma_start3A_203 : memref<128xi32, #tpu.memory_space<vmem>>) semaphore(%arg18 : memref<!tpu.dma_semaphore, #tpu.memory_space<semaphore_mem>>) {add = true}
      %dma_wait3A_207 = arith.constant 0 : i32
      %dma_wait3A_208 = arith.constant 0 : i32
      %dma_wait3A_209 = tpu.memref_slice %arg8[%dma_wait3A_207, %dma_wait3A_208] : memref<40x128xi32, #tpu.memory_space<vmem>> -> memref<1x128xi32, #tpu.memory_space<vmem>>
      %dma_wait3A_210 = tpu.memref_squeeze %dma_wait3A_209 : memref<1x128xi32, #tpu.memory_space<vmem>> -> memref<128xi32, #tpu.memory_space<vmem>>
      %dma_wait3A_211 = arith.constant 0 : i32
      %dma_wait3A_212 = arith.constant 0 : i32
      %dma_wait3A_213 = tpu.memref_slice %arg12[%dma_wait3A_211, %dma_wait3A_212] : memref<10000x112xf32, #tpu.memory_space<vmem_shared>> -> memref<10000x112xf32, #tpu.memory_space<vmem_shared>>
      tpu.wait_indirect_dma semaphore(%arg17 : memref<!tpu.dma_semaphore, #tpu.memory_space<semaphore_mem>>) src(%arg10 : memref<128x112xf32, #tpu.memory_space<vmem>>) dst(%dma_wait3A_213 : memref<10000x112xf32, #tpu.memory_space<vmem_shared>>)
      %add3A_214 = arith.constant 2 : i32
      %add3A_215 = arith.addi %add3A_194, %add3A_214 : i32
      %min3A_216 = arith.constant 38 : i32
      %min3A_217 = arith.minsi %add3A_215, %min3A_216 : i32
      %dma_start3A_218 = arith.constant 0 : i32
      %dma_start3A_219 = tpu.memref_slice %arg7[%min3A_217, %dma_start3A_218] : memref<40x128xi32, #tpu.memory_space<vmem>> -> memref<1x128xi32, #tpu.memory_space<vmem>>
      %dma_start3A_220 = tpu.memref_squeeze %dma_start3A_219 : memref<1x128xi32, #tpu.memory_space<vmem>> -> memref<128xi32, #tpu.memory_space<vmem>>
      %dma_start3A_221 = arith.constant 0 : i32
      %dma_start3A_222 = arith.constant 0 : i32
      %dma_start3A_223 = tpu.memref_slice %arg2[%dma_start3A_221, %dma_start3A_222] : memref<10000x112xf32, #tpu.memory_space<hbm>> -> memref<10000x112xf32, #tpu.memory_space<hbm>>
      tpu.enqueue_indirect_dma source(%dma_start3A_223 : memref<10000x112xf32, #tpu.memory_space<hbm>>) target(%arg10 : memref<128x112xf32, #tpu.memory_space<vmem>>) offsets(%dma_start3A_220 : memref<128xi32, #tpu.memory_space<vmem>>) semaphore(%arg14 : memref<!tpu.dma_semaphore, #tpu.memory_space<semaphore_mem>>)
    }
    %scan3A_94 = arith.constant 13 : i32
    %dma_wait3A_95 = arith.constant 38 : i32
    %dma_wait3A_96 = arith.constant 0 : i32
    %dma_wait3A_97 = tpu.memref_slice %arg7[%dma_wait3A_95, %dma_wait3A_96] : memref<40x128xi32, #tpu.memory_space<vmem>> -> memref<1x128xi32, #tpu.memory_space<vmem>>
    %dma_wait3A_98 = tpu.memref_squeeze %dma_wait3A_97 : memref<1x128xi32, #tpu.memory_space<vmem>> -> memref<128xi32, #tpu.memory_space<vmem>>
    %dma_wait3A_99 = arith.constant 0 : i32
    %dma_wait3A_100 = arith.constant 0 : i32
    %dma_wait3A_101 = tpu.memref_slice %arg2[%dma_wait3A_99, %dma_wait3A_100] : memref<10000x112xf32, #tpu.memory_space<hbm>> -> memref<10000x112xf32, #tpu.memory_space<hbm>>
    tpu.wait_indirect_dma semaphore(%arg13 : memref<!tpu.dma_semaphore, #tpu.memory_space<semaphore_mem>>) src(%dma_wait3A_101 : memref<10000x112xf32, #tpu.memory_space<hbm>>) dst(%arg9 : memref<128x112xf32, #tpu.memory_space<vmem>>)
    %dma_wait3A_102 = arith.constant 38 : i32
    %dma_wait3A_103 = arith.constant 0 : i32
    %dma_wait3A_104 = tpu.memref_slice %arg7[%dma_wait3A_102, %dma_wait3A_103] : memref<40x128xi32, #tpu.memory_space<vmem>> -> memref<1x128xi32, #tpu.memory_space<vmem>>
    %dma_wait3A_105 = tpu.memref_squeeze %dma_wait3A_104 : memref<1x128xi32, #tpu.memory_space<vmem>> -> memref<128xi32, #tpu.memory_space<vmem>>
    %dma_wait3A_106 = arith.constant 0 : i32
    %dma_wait3A_107 = arith.constant 0 : i32
    %dma_wait3A_108 = tpu.memref_slice %arg2[%dma_wait3A_106, %dma_wait3A_107] : memref<10000x112xf32, #tpu.memory_space<hbm>> -> memref<10000x112xf32, #tpu.memory_space<hbm>>
    tpu.wait_indirect_dma semaphore(%arg14 : memref<!tpu.dma_semaphore, #tpu.memory_space<semaphore_mem>>) src(%dma_wait3A_108 : memref<10000x112xf32, #tpu.memory_space<hbm>>) dst(%arg10 : memref<128x112xf32, #tpu.memory_space<vmem>>)
    %dma_wait3A_109 = arith.constant 0 : i32
    %dma_wait3A_110 = arith.constant 0 : i32
    %dma_wait3A_111 = tpu.memref_slice %arg8[%dma_wait3A_109, %dma_wait3A_110] : memref<40x128xi32, #tpu.memory_space<vmem>> -> memref<1x128xi32, #tpu.memory_space<vmem>>
    %dma_wait3A_112 = tpu.memref_squeeze %dma_wait3A_111 : memref<1x128xi32, #tpu.memory_space<vmem>> -> memref<128xi32, #tpu.memory_space<vmem>>
    %dma_wait3A_113 = arith.constant 0 : i32
    %dma_wait3A_114 = arith.constant 0 : i32
    %dma_wait3A_115 = tpu.memref_slice %arg12[%dma_wait3A_113, %dma_wait3A_114] : memref<10000x112xf32, #tpu.memory_space<vmem_shared>> -> memref<10000x112xf32, #tpu.memory_space<vmem_shared>>
    tpu.wait_indirect_dma semaphore(%arg18 : memref<!tpu.dma_semaphore, #tpu.memory_space<semaphore_mem>>) src(%arg11 : memref<128x112xf32, #tpu.memory_space<vmem>>) dst(%dma_wait3A_115 : memref<10000x112xf32, #tpu.memory_space<vmem_shared>>)
    %lt3A = arith.constant 4 : i32
    %lt3A_116 = arith.cmpi slt, %add3A, %lt3A : i32
    %convert_element_type3A_117 = arith.extui %lt3A_116 : i1 to i32
    %cond3A_118 = arith.constant 0 : i32
    %cond3A_119 = arith.cmpi ne, %convert_element_type3A_117, %cond3A_118 : i32
    scf.if %cond3A_119 {
      %add3A_125 = arith.constant 2496 : i32
      %add3A_126 = arith.addi %add3A_125, %add3A : i32
      "tpu.region"() ({
        %run_scoped3A_143 = tpu.sem_alloc : memref<!tpu.dma_semaphore, #tpu.memory_space<semaphore_mem>>
        %dma_start3A_144 = arith.constant 39 : i32
        %dma_start3A_145 = arith.constant 0 : i32
        %dma_start3A_146 = tpu.memref_slice %arg7[%dma_start3A_144, %dma_start3A_145] : memref<40x128xi32, #tpu.memory_space<vmem>> -> memref<1x128xi32, #tpu.memory_space<vmem>>
        %dma_start3A_147 = arith.constant 0 : i32
        %dma_start3A_148 = tpu.memref_slice %arg3[%add3A_126, %dma_start3A_147] : memref<2500x128xi32, #tpu.memory_space<hbm>> -> memref<1x128xi32, #tpu.memory_space<hbm>>
        %dma_start3A_149 = arith.constant 39 : i32
        %dma_start3A_150 = arith.constant 0 : i32
        %dma_start3A_151 = tpu.memref_slice %arg7[%dma_start3A_149, %dma_start3A_150] : memref<40x128xi32, #tpu.memory_space<vmem>> -> memref<1x128xi32, #tpu.memory_space<vmem>>
        %dma_start3A_152 = arith.constant 0 : i32
        %dma_start3A_153 = tpu.memref_slice %arg3[%add3A_126, %dma_start3A_152] : memref<2500x128xi32, #tpu.memory_space<hbm>> -> memref<1x128xi32, #tpu.memory_space<hbm>>
        tpu.enqueue_dma source(%dma_start3A_153 : memref<1x128xi32, #tpu.memory_space<hbm>>) target(%dma_start3A_151 : memref<1x128xi32, #tpu.memory_space<vmem>>) target_semaphore(%run_scoped3A_143 : memref<!tpu.dma_semaphore, #tpu.memory_space<semaphore_mem>>)
        %dma_wait3A_154 = arith.constant 39 : i32
        %dma_wait3A_155 = arith.constant 0 : i32
        %dma_wait3A_156 = tpu.memref_slice %arg7[%dma_wait3A_154, %dma_wait3A_155] : memref<40x128xi32, #tpu.memory_space<vmem>> -> memref<1x128xi32, #tpu.memory_space<vmem>>
        %dma_wait3A_157 = arith.constant 0 : i32
        %dma_wait3A_158 = tpu.memref_slice %arg3[%add3A_126, %dma_wait3A_157] : memref<2500x128xi32, #tpu.memory_space<hbm>> -> memref<1x128xi32, #tpu.memory_space<hbm>>
        %dma_wait3A_159 = arith.constant 39 : i32
        %dma_wait3A_160 = arith.constant 0 : i32
        %dma_wait3A_161 = tpu.memref_slice %arg7[%dma_wait3A_159, %dma_wait3A_160] : memref<40x128xi32, #tpu.memory_space<vmem>> -> memref<1x128xi32, #tpu.memory_space<vmem>>
        %dma_wait3A_162 = arith.constant 0 : i32
        %dma_wait3A_163 = tpu.memref_slice %arg3[%add3A_126, %dma_wait3A_162] : memref<2500x128xi32, #tpu.memory_space<hbm>> -> memref<1x128xi32, #tpu.memory_space<hbm>>
        tpu.wait_dma2 semaphore(%run_scoped3A_143 : memref<!tpu.dma_semaphore, #tpu.memory_space<semaphore_mem>>) src(%dma_wait3A_163 : memref<1x128xi32, #tpu.memory_space<hbm>>) dst(%dma_wait3A_161 : memref<1x128xi32, #tpu.memory_space<vmem>>)
        tpu.yield
      }) : () -> ()
      %add3A_127 = arith.constant 2496 : i32
      %add3A_128 = arith.addi %add3A_127, %add3A : i32
      "tpu.region"() ({
        %run_scoped3A_143 = tpu.sem_alloc : memref<!tpu.dma_semaphore, #tpu.memory_space<semaphore_mem>>
        %dma_start3A_144 = arith.constant 39 : i32
        %dma_start3A_145 = arith.constant 0 : i32
        %dma_start3A_146 = tpu.memref_slice %arg8[%dma_start3A_144, %dma_start3A_145] : memref<40x128xi32, #tpu.memory_space<vmem>> -> memref<1x128xi32, #tpu.memory_space<vmem>>
        %dma_start3A_147 = arith.constant 0 : i32
        %dma_start3A_148 = tpu.memref_slice %arg4[%add3A_128, %dma_start3A_147] : memref<2500x128xi32, #tpu.memory_space<hbm>> -> memref<1x128xi32, #tpu.memory_space<hbm>>
        %dma_start3A_149 = arith.constant 39 : i32
        %dma_start3A_150 = arith.constant 0 : i32
        %dma_start3A_151 = tpu.memref_slice %arg8[%dma_start3A_149, %dma_start3A_150] : memref<40x128xi32, #tpu.memory_space<vmem>> -> memref<1x128xi32, #tpu.memory_space<vmem>>
        %dma_start3A_152 = arith.constant 0 : i32
        %dma_start3A_153 = tpu.memref_slice %arg4[%add3A_128, %dma_start3A_152] : memref<2500x128xi32, #tpu.memory_space<hbm>> -> memref<1x128xi32, #tpu.memory_space<hbm>>
        tpu.enqueue_dma source(%dma_start3A_153 : memref<1x128xi32, #tpu.memory_space<hbm>>) target(%dma_start3A_151 : memref<1x128xi32, #tpu.memory_space<vmem>>) target_semaphore(%run_scoped3A_143 : memref<!tpu.dma_semaphore, #tpu.memory_space<semaphore_mem>>)
        %dma_wait3A_154 = arith.constant 39 : i32
        %dma_wait3A_155 = arith.constant 0 : i32
        %dma_wait3A_156 = tpu.memref_slice %arg8[%dma_wait3A_154, %dma_wait3A_155] : memref<40x128xi32, #tpu.memory_space<vmem>> -> memref<1x128xi32, #tpu.memory_space<vmem>>
        %dma_wait3A_157 = arith.constant 0 : i32
        %dma_wait3A_158 = tpu.memref_slice %arg4[%add3A_128, %dma_wait3A_157] : memref<2500x128xi32, #tpu.memory_space<hbm>> -> memref<1x128xi32, #tpu.memory_space<hbm>>
        %dma_wait3A_159 = arith.constant 39 : i32
        %dma_wait3A_160 = arith.constant 0 : i32
        %dma_wait3A_161 = tpu.memref_slice %arg8[%dma_wait3A_159, %dma_wait3A_160] : memref<40x128xi32, #tpu.memory_space<vmem>> -> memref<1x128xi32, #tpu.memory_space<vmem>>
        %dma_wait3A_162 = arith.constant 0 : i32
        %dma_wait3A_163 = tpu.memref_slice %arg4[%add3A_128, %dma_wait3A_162] : memref<2500x128xi32, #tpu.memory_space<hbm>> -> memref<1x128xi32, #tpu.memory_space<hbm>>
        tpu.wait_dma2 semaphore(%run_scoped3A_143 : memref<!tpu.dma_semaphore, #tpu.memory_space<semaphore_mem>>) src(%dma_wait3A_163 : memref<1x128xi32, #tpu.memory_space<hbm>>) dst(%dma_wait3A_161 : memref<1x128xi32, #tpu.memory_space<vmem>>)
        tpu.yield
      }) : () -> ()
      %dma_start3A_129 = arith.constant 39 : i32
      %dma_start3A_130 = arith.constant 0 : i32
      %dma_start3A_131 = tpu.memref_slice %arg7[%dma_start3A_129, %dma_start3A_130] : memref<40x128xi32, #tpu.memory_space<vmem>> -> memref<1x128xi32, #tpu.memory_space<vmem>>
      %dma_start3A_132 = tpu.memref_squeeze %dma_start3A_131 : memref<1x128xi32, #tpu.memory_space<vmem>> -> memref<128xi32, #tpu.memory_space<vmem>>
      %dma_start3A_133 = arith.constant 0 : i32
      %dma_start3A_134 = arith.constant 0 : i32
      %dma_start3A_135 = tpu.memref_slice %arg2[%dma_start3A_133, %dma_start3A_134] : memref<10000x112xf32, #tpu.memory_space<hbm>> -> memref<10000x112xf32, #tpu.memory_space<hbm>>
      tpu.enqueue_indirect_dma source(%dma_start3A_135 : memref<10000x112xf32, #tpu.memory_space<hbm>>) target(%arg9 : memref<128x112xf32, #tpu.memory_space<vmem>>) offsets(%dma_start3A_132 : memref<128xi32, #tpu.memory_space<vmem>>) semaphore(%arg13 : memref<!tpu.dma_semaphore, #tpu.memory_space<semaphore_mem>>)
      %dma_wait3A_136 = arith.constant 39 : i32
      %dma_wait3A_137 = arith.constant 0 : i32
      %dma_wait3A_138 = tpu.memref_slice %arg7[%dma_wait3A_136, %dma_wait3A_137] : memref<40x128xi32, #tpu.memory_space<vmem>> -> memref<1x128xi32, #tpu.memory_space<vmem>>
      %dma_wait3A_139 = tpu.memref_squeeze %dma_wait3A_138 : memref<1x128xi32, #tpu.memory_space<vmem>> -> memref<128xi32, #tpu.memory_space<vmem>>
      %dma_wait3A_140 = arith.constant 0 : i32
      %dma_wait3A_141 = arith.constant 0 : i32
      %dma_wait3A_142 = tpu.memref_slice %arg2[%dma_wait3A_140, %dma_wait3A_141] : memref<10000x112xf32, #tpu.memory_space<hbm>> -> memref<10000x112xf32, #tpu.memory_space<hbm>>
      tpu.wait_indirect_dma semaphore(%arg13 : memref<!tpu.dma_semaphore, #tpu.memory_space<semaphore_mem>>) src(%dma_wait3A_142 : memref<10000x112xf32, #tpu.memory_space<hbm>>) dst(%arg9 : memref<128x112xf32, #tpu.memory_space<vmem>>)
      %run_scoped3A = arith.constant 39 : i32
      "tpu.region"() ({
        %run_scoped3A_143 = tpu.sem_alloc : memref<!tpu.dma_semaphore, #tpu.memory_space<semaphore_mem>>
        %dma_start3A_144 = arith.constant 0 : i32
        %dma_start3A_145 = tpu.memref_slice %arg8[%run_scoped3A, %dma_start3A_144] : memref<40x128xi32, #tpu.memory_space<vmem>> -> memref<1x128xi32, #tpu.memory_space<vmem>>
        %dma_start3A_146 = tpu.memref_squeeze %dma_start3A_145 : memref<1x128xi32, #tpu.memory_space<vmem>> -> memref<128xi32, #tpu.memory_space<vmem>>
        %dma_start3A_147 = arith.constant 0 : i32
        %dma_start3A_148 = arith.constant 0 : i32
        %dma_start3A_149 = tpu.memref_slice %arg12[%dma_start3A_147, %dma_start3A_148] : memref<10000x112xf32, #tpu.memory_space<vmem_shared>> -> memref<10000x112xf32, #tpu.memory_space<vmem_shared>>
        tpu.enqueue_indirect_dma source(%arg9 : memref<128x112xf32, #tpu.memory_space<vmem>>) target(%dma_start3A_149 : memref<10000x112xf32, #tpu.memory_space<vmem_shared>>) offsets(%dma_start3A_146 : memref<128xi32, #tpu.memory_space<vmem>>) semaphore(%run_scoped3A_143 : memref<!tpu.dma_semaphore, #tpu.memory_space<semaphore_mem>>) {add = true}
        %dma_wait3A_150 = arith.constant 0 : i32
        %dma_wait3A_151 = tpu.memref_slice %arg8[%run_scoped3A, %dma_wait3A_150] : memref<40x128xi32, #tpu.memory_space<vmem>> -> memref<1x128xi32, #tpu.memory_space<vmem>>
        %dma_wait3A_152 = tpu.memref_squeeze %dma_wait3A_151 : memref<1x128xi32, #tpu.memory_space<vmem>> -> memref<128xi32, #tpu.memory_space<vmem>>
        %dma_wait3A_153 = arith.constant 0 : i32
        %dma_wait3A_154 = arith.constant 0 : i32
        %dma_wait3A_155 = tpu.memref_slice %arg12[%dma_wait3A_153, %dma_wait3A_154] : memref<10000x112xf32, #tpu.memory_space<vmem_shared>> -> memref<10000x112xf32, #tpu.memory_space<vmem_shared>>
        tpu.wait_indirect_dma semaphore(%run_scoped3A_143 : memref<!tpu.dma_semaphore, #tpu.memory_space<semaphore_mem>>) src(%arg9 : memref<128x112xf32, #tpu.memory_space<vmem>>) dst(%dma_wait3A_155 : memref<10000x112xf32, #tpu.memory_space<vmem_shared>>)
        tpu.yield
      }) : () -> ()
    } else {
    }
    %barrier3A_120 = arith.constant 0 : index
    tpu.barrier barrier_id(%barrier3A_120)
    %mul3A_121 = arith.constant 625 : i32
    %mul3A_122 = arith.muli %arg1, %mul3A_121 : i32
    %mul3A_123 = arith.constant 625 : i32
    %mul3A_124 = arith.muli %arg1, %mul3A_123 : i32
    "tpu.region"() ({
      %run_scoped3A = tpu.sem_alloc : memref<!tpu.dma_semaphore, #tpu.memory_space<semaphore_mem>>
      %dma_start3A_125 = arith.constant 0 : i32
      %dma_start3A_126 = tpu.memref_slice %arg6[%arg0, %mul3A_124, %dma_start3A_125] : memref<2x10000x112xf32, #tpu.memory_space<hbm>> -> memref<1x625x112xf32, #tpu.memory_space<hbm>>
      %dma_start3A_127 = tpu.memref_squeeze %dma_start3A_126 : memref<1x625x112xf32, #tpu.memory_space<hbm>> -> memref<625x112xf32, #tpu.memory_space<hbm>>
      %dma_start3A_128 = arith.constant 0 : i32
      %dma_start3A_129 = tpu.memref_slice %arg12[%mul3A_122, %dma_start3A_128] : memref<10000x112xf32, #tpu.memory_space<vmem_shared>> -> memref<625x112xf32, #tpu.memory_space<vmem_shared>>
      tpu.enqueue_dma source(%dma_start3A_129 : memref<625x112xf32, #tpu.memory_space<vmem_shared>>) target(%dma_start3A_127 : memref<625x112xf32, #tpu.memory_space<hbm>>) target_semaphore(%run_scoped3A : memref<!tpu.dma_semaphore, #tpu.memory_space<semaphore_mem>>)
      %dma_wait3A_130 = arith.constant 0 : i32
      %dma_wait3A_131 = tpu.memref_slice %arg6[%arg0, %mul3A_124, %dma_wait3A_130] : memref<2x10000x112xf32, #tpu.memory_space<hbm>> -> memref<1x625x112xf32, #tpu.memory_space<hbm>>
      %dma_wait3A_132 = tpu.memref_squeeze %dma_wait3A_131 : memref<1x625x112xf32, #tpu.memory_space<hbm>> -> memref<625x112xf32, #tpu.memory_space<hbm>>
      %dma_wait3A_133 = arith.constant 0 : i32
      %dma_wait3A_134 = tpu.memref_slice %arg12[%mul3A_122, %dma_wait3A_133] : memref<10000x112xf32, #tpu.memory_space<vmem_shared>> -> memref<625x112xf32, #tpu.memory_space<vmem_shared>>
      tpu.wait_dma2 semaphore(%run_scoped3A : memref<!tpu.dma_semaphore, #tpu.memory_space<semaphore_mem>>) src(%dma_wait3A_134 : memref<625x112xf32, #tpu.memory_space<vmem_shared>>) dst(%dma_wait3A_132 : memref<625x112xf32, #tpu.memory_space<hbm>>)
      tpu.yield
    }) : () -> ()
    return
  }
}

#map = affine_map<(d0, d1) -> (0, 0)>
#map1 = affine_map<(d0, d1) -> (0, 0, 0)>
module attributes {stable_mosaic.version = 14 : i64} {
  func.func @_deg_body(%arg0: i32, %arg1: i32, %arg2: memref<2500x128xi32, #tpu.memory_space<hbm>>, %arg3: memref<625x16xf32, #tpu.memory_space<hbm>>, %arg4: memref<128x16xf32, #tpu.memory_space<hbm>>, %arg5: memref<2x10000x16xf32, #tpu.memory_space<hbm>>, %arg6: memref<79x128xi32, #tpu.memory_space<vmem>>, %arg7: memref<128x16xf32, #tpu.memory_space<vmem>>, %arg8: memref<10000x16xf32, #tpu.memory_space<vmem_shared>>, %arg9: memref<!tpu.dma_semaphore, #tpu.memory_space<semaphore_mem>>) attributes {dimension_semantics = [#tpu.dimension_semantics<core_parallel>, #tpu.dimension_semantics<subcore_parallel>], iteration_bounds = array<i64: 2, 16>, scalar_prefetch = 0 : i64, scratch_operands = 4 : i64, tpu.core_type = #tpu.core_type<sc_vector_subcore>, window_params = [{transform_indices = #map}, {transform_indices = #map}, {transform_indices = #map}, {transform_indices = #map1}]} {
    %mul3A = arith.constant 2 : i32
    %mul3A_0 = arith.muli %arg1, %mul3A : i32
    %add3A = arith.addi %mul3A_0, %arg0 : i32
    %mul3A_1 = arith.constant 625 : i32
    %mul3A_2 = arith.muli %arg1, %mul3A_1 : i32
    "tpu.region"() ({
      %run_scoped3A = tpu.sem_alloc : memref<!tpu.dma_semaphore, #tpu.memory_space<semaphore_mem>>
      %dma_start3A = arith.constant 0 : i32
      %dma_start3A_28 = tpu.memref_slice %arg8[%mul3A_2, %dma_start3A] : memref<10000x16xf32, #tpu.memory_space<vmem_shared>> -> memref<625x16xf32, #tpu.memory_space<vmem_shared>>
      tpu.enqueue_dma source(%arg3 : memref<625x16xf32, #tpu.memory_space<hbm>>) target(%dma_start3A_28 : memref<625x16xf32, #tpu.memory_space<vmem_shared>>) target_semaphore(%run_scoped3A : memref<!tpu.dma_semaphore, #tpu.memory_space<semaphore_mem>>)
      %dma_wait3A = arith.constant 0 : i32
      %dma_wait3A_29 = tpu.memref_slice %arg8[%mul3A_2, %dma_wait3A] : memref<10000x16xf32, #tpu.memory_space<vmem_shared>> -> memref<625x16xf32, #tpu.memory_space<vmem_shared>>
      tpu.wait_dma2 semaphore(%run_scoped3A : memref<!tpu.dma_semaphore, #tpu.memory_space<semaphore_mem>>) src(%arg3 : memref<625x16xf32, #tpu.memory_space<hbm>>) dst(%dma_wait3A_29 : memref<625x16xf32, #tpu.memory_space<vmem_shared>>)
      tpu.yield
    }) : () -> ()
    %mul3A_3 = arith.constant 78 : i32
    %mul3A_4 = arith.muli %add3A, %mul3A_3 : i32
    "tpu.region"() ({
      %run_scoped3A = tpu.sem_alloc : memref<!tpu.dma_semaphore, #tpu.memory_space<semaphore_mem>>
      %dma_start3A = arith.constant 0 : i32
      %dma_start3A_28 = arith.constant 0 : i32
      %dma_start3A_29 = tpu.memref_slice %arg6[%dma_start3A, %dma_start3A_28] : memref<79x128xi32, #tpu.memory_space<vmem>> -> memref<78x128xi32, #tpu.memory_space<vmem>>
      %dma_start3A_30 = arith.constant 0 : i32
      %dma_start3A_31 = tpu.memref_slice %arg2[%mul3A_4, %dma_start3A_30] : memref<2500x128xi32, #tpu.memory_space<hbm>> -> memref<78x128xi32, #tpu.memory_space<hbm>>
      %dma_start3A_32 = arith.constant 0 : i32
      %dma_start3A_33 = arith.constant 0 : i32
      %dma_start3A_34 = tpu.memref_slice %arg6[%dma_start3A_32, %dma_start3A_33] : memref<79x128xi32, #tpu.memory_space<vmem>> -> memref<78x128xi32, #tpu.memory_space<vmem>>
      %dma_start3A_35 = arith.constant 0 : i32
      %dma_start3A_36 = tpu.memref_slice %arg2[%mul3A_4, %dma_start3A_35] : memref<2500x128xi32, #tpu.memory_space<hbm>> -> memref<78x128xi32, #tpu.memory_space<hbm>>
      tpu.enqueue_dma source(%dma_start3A_36 : memref<78x128xi32, #tpu.memory_space<hbm>>) target(%dma_start3A_34 : memref<78x128xi32, #tpu.memory_space<vmem>>) target_semaphore(%run_scoped3A : memref<!tpu.dma_semaphore, #tpu.memory_space<semaphore_mem>>)
      %dma_wait3A = arith.constant 0 : i32
      %dma_wait3A_37 = arith.constant 0 : i32
      %dma_wait3A_38 = tpu.memref_slice %arg6[%dma_wait3A, %dma_wait3A_37] : memref<79x128xi32, #tpu.memory_space<vmem>> -> memref<78x128xi32, #tpu.memory_space<vmem>>
      %dma_wait3A_39 = arith.constant 0 : i32
      %dma_wait3A_40 = tpu.memref_slice %arg2[%mul3A_4, %dma_wait3A_39] : memref<2500x128xi32, #tpu.memory_space<hbm>> -> memref<78x128xi32, #tpu.memory_space<hbm>>
      %dma_wait3A_41 = arith.constant 0 : i32
      %dma_wait3A_42 = arith.constant 0 : i32
      %dma_wait3A_43 = tpu.memref_slice %arg6[%dma_wait3A_41, %dma_wait3A_42] : memref<79x128xi32, #tpu.memory_space<vmem>> -> memref<78x128xi32, #tpu.memory_space<vmem>>
      %dma_wait3A_44 = arith.constant 0 : i32
      %dma_wait3A_45 = tpu.memref_slice %arg2[%mul3A_4, %dma_wait3A_44] : memref<2500x128xi32, #tpu.memory_space<hbm>> -> memref<78x128xi32, #tpu.memory_space<hbm>>
      tpu.wait_dma2 semaphore(%run_scoped3A : memref<!tpu.dma_semaphore, #tpu.memory_space<semaphore_mem>>) src(%dma_wait3A_45 : memref<78x128xi32, #tpu.memory_space<hbm>>) dst(%dma_wait3A_43 : memref<78x128xi32, #tpu.memory_space<vmem>>)
      tpu.yield
    }) : () -> ()
    "tpu.region"() ({
      %run_scoped3A = tpu.sem_alloc : memref<!tpu.dma_semaphore, #tpu.memory_space<semaphore_mem>>
      tpu.enqueue_dma source(%arg4 : memref<128x16xf32, #tpu.memory_space<hbm>>) target(%arg7 : memref<128x16xf32, #tpu.memory_space<vmem>>) target_semaphore(%run_scoped3A : memref<!tpu.dma_semaphore, #tpu.memory_space<semaphore_mem>>)
      tpu.wait_dma2 semaphore(%run_scoped3A : memref<!tpu.dma_semaphore, #tpu.memory_space<semaphore_mem>>) src(%arg4 : memref<128x16xf32, #tpu.memory_space<hbm>>) dst(%arg7 : memref<128x16xf32, #tpu.memory_space<vmem>>)
      tpu.yield
    }) : () -> ()
    %lt3A = arith.constant 4 : i32
    %lt3A_5 = arith.cmpi slt, %add3A, %lt3A : i32
    %convert_element_type3A = arith.extui %lt3A_5 : i1 to i32
    %cond3A = arith.constant 0 : i32
    %cond3A_6 = arith.cmpi ne, %convert_element_type3A, %cond3A : i32
    scf.if %cond3A_6 {
      %add3A_28 = arith.constant 2496 : i32
      %add3A_29 = arith.addi %add3A_28, %add3A : i32
      "tpu.region"() ({
        %run_scoped3A = tpu.sem_alloc : memref<!tpu.dma_semaphore, #tpu.memory_space<semaphore_mem>>
        %dma_start3A = arith.constant 78 : i32
        %dma_start3A_30 = arith.constant 0 : i32
        %dma_start3A_31 = tpu.memref_slice %arg6[%dma_start3A, %dma_start3A_30] : memref<79x128xi32, #tpu.memory_space<vmem>> -> memref<1x128xi32, #tpu.memory_space<vmem>>
        %dma_start3A_32 = arith.constant 0 : i32
        %dma_start3A_33 = tpu.memref_slice %arg2[%add3A_29, %dma_start3A_32] : memref<2500x128xi32, #tpu.memory_space<hbm>> -> memref<1x128xi32, #tpu.memory_space<hbm>>
        %dma_start3A_34 = arith.constant 78 : i32
        %dma_start3A_35 = arith.constant 0 : i32
        %dma_start3A_36 = tpu.memref_slice %arg6[%dma_start3A_34, %dma_start3A_35] : memref<79x128xi32, #tpu.memory_space<vmem>> -> memref<1x128xi32, #tpu.memory_space<vmem>>
        %dma_start3A_37 = arith.constant 0 : i32
        %dma_start3A_38 = tpu.memref_slice %arg2[%add3A_29, %dma_start3A_37] : memref<2500x128xi32, #tpu.memory_space<hbm>> -> memref<1x128xi32, #tpu.memory_space<hbm>>
        tpu.enqueue_dma source(%dma_start3A_38 : memref<1x128xi32, #tpu.memory_space<hbm>>) target(%dma_start3A_36 : memref<1x128xi32, #tpu.memory_space<vmem>>) target_semaphore(%run_scoped3A : memref<!tpu.dma_semaphore, #tpu.memory_space<semaphore_mem>>)
        %dma_wait3A = arith.constant 78 : i32
        %dma_wait3A_39 = arith.constant 0 : i32
        %dma_wait3A_40 = tpu.memref_slice %arg6[%dma_wait3A, %dma_wait3A_39] : memref<79x128xi32, #tpu.memory_space<vmem>> -> memref<1x128xi32, #tpu.memory_space<vmem>>
        %dma_wait3A_41 = arith.constant 0 : i32
        %dma_wait3A_42 = tpu.memref_slice %arg2[%add3A_29, %dma_wait3A_41] : memref<2500x128xi32, #tpu.memory_space<hbm>> -> memref<1x128xi32, #tpu.memory_space<hbm>>
        %dma_wait3A_43 = arith.constant 78 : i32
        %dma_wait3A_44 = arith.constant 0 : i32
        %dma_wait3A_45 = tpu.memref_slice %arg6[%dma_wait3A_43, %dma_wait3A_44] : memref<79x128xi32, #tpu.memory_space<vmem>> -> memref<1x128xi32, #tpu.memory_space<vmem>>
        %dma_wait3A_46 = arith.constant 0 : i32
        %dma_wait3A_47 = tpu.memref_slice %arg2[%add3A_29, %dma_wait3A_46] : memref<2500x128xi32, #tpu.memory_space<hbm>> -> memref<1x128xi32, #tpu.memory_space<hbm>>
        tpu.wait_dma2 semaphore(%run_scoped3A : memref<!tpu.dma_semaphore, #tpu.memory_space<semaphore_mem>>) src(%dma_wait3A_47 : memref<1x128xi32, #tpu.memory_space<hbm>>) dst(%dma_wait3A_45 : memref<1x128xi32, #tpu.memory_space<vmem>>)
        tpu.yield
      }) : () -> ()
    } else {
    }
    %barrier3A = arith.constant 0 : index
    tpu.barrier barrier_id(%barrier3A)
    %scan3A = arith.constant 0 : i32
    %scan3A_7 = arith.constant 0 : i32
    %scan3A_8 = arith.constant 78 : i32
    %scan3A_9 = arith.addi %scan3A_7, %scan3A_8 : i32
    %scan3A_10 = arith.constant 1 : i32
    scf.for %scan3A_28 = %scan3A_7 to %scan3A_9 step %scan3A_10  : i32 {
      %dma_start3A = arith.constant 0 : i32
      %dma_start3A_29 = tpu.memref_slice %arg6[%scan3A_28, %dma_start3A] : memref<79x128xi32, #tpu.memory_space<vmem>> -> memref<1x128xi32, #tpu.memory_space<vmem>>
      %dma_start3A_30 = tpu.memref_squeeze %dma_start3A_29 : memref<1x128xi32, #tpu.memory_space<vmem>> -> memref<128xi32, #tpu.memory_space<vmem>>
      %dma_start3A_31 = arith.constant 0 : i32
      %dma_start3A_32 = arith.constant 0 : i32
      %dma_start3A_33 = tpu.memref_slice %arg8[%dma_start3A_31, %dma_start3A_32] : memref<10000x16xf32, #tpu.memory_space<vmem_shared>> -> memref<10000x16xf32, #tpu.memory_space<vmem_shared>>
      tpu.enqueue_indirect_dma source(%arg7 : memref<128x16xf32, #tpu.memory_space<vmem>>) target(%dma_start3A_33 : memref<10000x16xf32, #tpu.memory_space<vmem_shared>>) offsets(%dma_start3A_30 : memref<128xi32, #tpu.memory_space<vmem>>) semaphore(%arg9 : memref<!tpu.dma_semaphore, #tpu.memory_space<semaphore_mem>>) {add = true}
    }
    %scan3A_11 = arith.constant 78 : i32
    %lt3A_12 = arith.constant 4 : i32
    %lt3A_13 = arith.cmpi slt, %add3A, %lt3A_12 : i32
    %convert_element_type3A_14 = arith.extui %lt3A_13 : i1 to i32
    %cond3A_15 = arith.constant 0 : i32
    %cond3A_16 = arith.cmpi ne, %convert_element_type3A_14, %cond3A_15 : i32
    scf.if %cond3A_16 {
      %run_scoped3A = arith.constant 78 : i32
      "tpu.region"() ({
        %run_scoped3A_28 = tpu.sem_alloc : memref<!tpu.dma_semaphore, #tpu.memory_space<semaphore_mem>>
        %dma_start3A = arith.constant 0 : i32
        %dma_start3A_29 = tpu.memref_slice %arg6[%run_scoped3A, %dma_start3A] : memref<79x128xi32, #tpu.memory_space<vmem>> -> memref<1x128xi32, #tpu.memory_space<vmem>>
        %dma_start3A_30 = tpu.memref_squeeze %dma_start3A_29 : memref<1x128xi32, #tpu.memory_space<vmem>> -> memref<128xi32, #tpu.memory_space<vmem>>
        %dma_start3A_31 = arith.constant 0 : i32
        %dma_start3A_32 = arith.constant 0 : i32
        %dma_start3A_33 = tpu.memref_slice %arg8[%dma_start3A_31, %dma_start3A_32] : memref<10000x16xf32, #tpu.memory_space<vmem_shared>> -> memref<10000x16xf32, #tpu.memory_space<vmem_shared>>
        tpu.enqueue_indirect_dma source(%arg7 : memref<128x16xf32, #tpu.memory_space<vmem>>) target(%dma_start3A_33 : memref<10000x16xf32, #tpu.memory_space<vmem_shared>>) offsets(%dma_start3A_30 : memref<128xi32, #tpu.memory_space<vmem>>) semaphore(%run_scoped3A_28 : memref<!tpu.dma_semaphore, #tpu.memory_space<semaphore_mem>>) {add = true}
        %dma_wait3A = arith.constant 0 : i32
        %dma_wait3A_34 = tpu.memref_slice %arg6[%run_scoped3A, %dma_wait3A] : memref<79x128xi32, #tpu.memory_space<vmem>> -> memref<1x128xi32, #tpu.memory_space<vmem>>
        %dma_wait3A_35 = tpu.memref_squeeze %dma_wait3A_34 : memref<1x128xi32, #tpu.memory_space<vmem>> -> memref<128xi32, #tpu.memory_space<vmem>>
        %dma_wait3A_36 = arith.constant 0 : i32
        %dma_wait3A_37 = arith.constant 0 : i32
        %dma_wait3A_38 = tpu.memref_slice %arg8[%dma_wait3A_36, %dma_wait3A_37] : memref<10000x16xf32, #tpu.memory_space<vmem_shared>> -> memref<10000x16xf32, #tpu.memory_space<vmem_shared>>
        tpu.wait_indirect_dma semaphore(%run_scoped3A_28 : memref<!tpu.dma_semaphore, #tpu.memory_space<semaphore_mem>>) src(%arg7 : memref<128x16xf32, #tpu.memory_space<vmem>>) dst(%dma_wait3A_38 : memref<10000x16xf32, #tpu.memory_space<vmem_shared>>)
        tpu.yield
      }) : () -> ()
    } else {
    }
    %scan3A_17 = arith.constant 0 : i32
    %scan3A_18 = arith.constant 0 : i32
    %scan3A_19 = arith.constant 78 : i32
    %scan3A_20 = arith.addi %scan3A_18, %scan3A_19 : i32
    %scan3A_21 = arith.constant 1 : i32
    scf.for %scan3A_28 = %scan3A_18 to %scan3A_20 step %scan3A_21  : i32 {
      %dma_wait3A = arith.constant 0 : i32
      %dma_wait3A_29 = arith.constant 0 : i32
      %dma_wait3A_30 = tpu.memref_slice %arg6[%dma_wait3A, %dma_wait3A_29] : memref<79x128xi32, #tpu.memory_space<vmem>> -> memref<1x128xi32, #tpu.memory_space<vmem>>
      %dma_wait3A_31 = tpu.memref_squeeze %dma_wait3A_30 : memref<1x128xi32, #tpu.memory_space<vmem>> -> memref<128xi32, #tpu.memory_space<vmem>>
      %dma_wait3A_32 = arith.constant 0 : i32
      %dma_wait3A_33 = arith.constant 0 : i32
      %dma_wait3A_34 = tpu.memref_slice %arg8[%dma_wait3A_32, %dma_wait3A_33] : memref<10000x16xf32, #tpu.memory_space<vmem_shared>> -> memref<10000x16xf32, #tpu.memory_space<vmem_shared>>
      tpu.wait_indirect_dma semaphore(%arg9 : memref<!tpu.dma_semaphore, #tpu.memory_space<semaphore_mem>>) src(%arg7 : memref<128x16xf32, #tpu.memory_space<vmem>>) dst(%dma_wait3A_34 : memref<10000x16xf32, #tpu.memory_space<vmem_shared>>)
    }
    %scan3A_22 = arith.constant 78 : i32
    %barrier3A_23 = arith.constant 0 : index
    tpu.barrier barrier_id(%barrier3A_23)
    %mul3A_24 = arith.constant 625 : i32
    %mul3A_25 = arith.muli %arg1, %mul3A_24 : i32
    %mul3A_26 = arith.constant 625 : i32
    %mul3A_27 = arith.muli %arg1, %mul3A_26 : i32
    "tpu.region"() ({
      %run_scoped3A = tpu.sem_alloc : memref<!tpu.dma_semaphore, #tpu.memory_space<semaphore_mem>>
      %dma_start3A = arith.constant 0 : i32
      %dma_start3A_28 = tpu.memref_slice %arg5[%arg0, %mul3A_27, %dma_start3A] : memref<2x10000x16xf32, #tpu.memory_space<hbm>> -> memref<1x625x16xf32, #tpu.memory_space<hbm>>
      %dma_start3A_29 = tpu.memref_squeeze %dma_start3A_28 : memref<1x625x16xf32, #tpu.memory_space<hbm>> -> memref<625x16xf32, #tpu.memory_space<hbm>>
      %dma_start3A_30 = arith.constant 0 : i32
      %dma_start3A_31 = tpu.memref_slice %arg8[%mul3A_25, %dma_start3A_30] : memref<10000x16xf32, #tpu.memory_space<vmem_shared>> -> memref<625x16xf32, #tpu.memory_space<vmem_shared>>
      tpu.enqueue_dma source(%dma_start3A_31 : memref<625x16xf32, #tpu.memory_space<vmem_shared>>) target(%dma_start3A_29 : memref<625x16xf32, #tpu.memory_space<hbm>>) target_semaphore(%run_scoped3A : memref<!tpu.dma_semaphore, #tpu.memory_space<semaphore_mem>>)
      %dma_wait3A = arith.constant 0 : i32
      %dma_wait3A_32 = tpu.memref_slice %arg5[%arg0, %mul3A_27, %dma_wait3A] : memref<2x10000x16xf32, #tpu.memory_space<hbm>> -> memref<1x625x16xf32, #tpu.memory_space<hbm>>
      %dma_wait3A_33 = tpu.memref_squeeze %dma_wait3A_32 : memref<1x625x16xf32, #tpu.memory_space<hbm>> -> memref<625x16xf32, #tpu.memory_space<hbm>>
      %dma_wait3A_34 = arith.constant 0 : i32
      %dma_wait3A_35 = tpu.memref_slice %arg8[%mul3A_25, %dma_wait3A_34] : memref<10000x16xf32, #tpu.memory_space<vmem_shared>> -> memref<625x16xf32, #tpu.memory_space<vmem_shared>>
      tpu.wait_dma2 semaphore(%run_scoped3A : memref<!tpu.dma_semaphore, #tpu.memory_space<semaphore_mem>>) src(%dma_wait3A_35 : memref<625x16xf32, #tpu.memory_space<vmem_shared>>) dst(%dma_wait3A_33 : memref<625x16xf32, #tpu.memory_space<hbm>>)
      tpu.yield
    }) : () -> ()
    return
  }
}

module attributes {stable_mosaic.version = 14 : i64} {
  func.func @_scale_mm_body(%arg0: i32, %arg1: memref<1000x128xf32, #tpu.memory_space<vmem>>, %arg2: memref<128x112xf32, #tpu.memory_space<vmem>>, %arg3: memref<2x1000x16xf32, #tpu.memory_space<vmem>>, %arg4: memref<1000x112xf32, #tpu.memory_space<vmem>>) attributes {dimension_semantics = [#tpu.dimension_semantics<arbitrary>], iteration_bounds = array<i64: 10>, scalar_prefetch = 0 : i64, scratch_operands = 0 : i64, tpu.core_type = #tpu.core_type<tc>, window_params = [{transform_indices = @transform_0, window_bounds = array<i64: 1000, 128>}, {pipeline_mode = #tpu.pipeline_mode<synchronous>, transform_indices = @transform_1, window_bounds = array<i64: 128, 112>}, {transform_indices = @transform_2, window_bounds = array<i64: 2, 1000, 16>}, {transform_indices = @transform_3, window_bounds = array<i64: 1000, 112>}]} {
    %get3A = arith.constant 0 : index
    %get3A_0 = arith.constant 0 : index
    %get3A_1 = arith.constant 0 : index
    %get3A_2 = vector.load %arg3[%get3A, %get3A_0, %get3A_1] : memref<2x1000x16xf32, #tpu.memory_space<vmem>>, vector<1x1000x1xf32>
    %get3A_3 = vector.shape_cast %get3A_2 : vector<1x1000x1xf32> to vector<1000x1xf32>
    %get3A_4 = arith.constant 1 : index
    %get3A_5 = arith.constant 0 : index
    %get3A_6 = arith.constant 0 : index
    %get3A_7 = vector.load %arg3[%get3A_4, %get3A_5, %get3A_6] : memref<2x1000x16xf32, #tpu.memory_space<vmem>>, vector<1x1000x1xf32>
    %get3A_8 = vector.shape_cast %get3A_7 : vector<1x1000x1xf32> to vector<1000x1xf32>
    %add3A = arith.addf %get3A_3, %get3A_8 : vector<1000x1xf32>
    %add3A_9 = arith.constant 1.000000e+00 : f32
    %add3A_10 = vector.broadcast %add3A_9 : f32 to vector<1000x1xf32>
    %add3A_11 = arith.addf %add3A, %add3A_10 : vector<1000x1xf32>
    %rsqrt3A = math.rsqrt %add3A_11 : vector<1000x1xf32>
    %broadcast_in_dim3A = vector.shape_cast %rsqrt3A : vector<1000x1xf32> to vector<1000x1xf32>
    %broadcast_in_dim3A_12 = vector.broadcast %broadcast_in_dim3A : vector<1000x1xf32> to vector<1000x112xf32>
    %get3A_13 = arith.constant 0 : index
    %get3A_14 = arith.constant 0 : index
    %get3A_15 = vector.load %arg1[%get3A_13, %get3A_14] : memref<1000x128xf32, #tpu.memory_space<vmem>>, vector<1000x128xf32>
    %get3A_16 = arith.constant 0 : index
    %get3A_17 = arith.constant 0 : index
    %get3A_18 = vector.load %arg2[%get3A_16, %get3A_17] : memref<128x112xf32, #tpu.memory_space<vmem>>, vector<128x112xf32>
    %dot_general3A = arith.constant dense<0.000000e+00> : vector<1000x112xf32>
    %dot_general3A_19 = tpu.matmul %get3A_15, %get3A_18, %dot_general3A {dimension_numbers = #tpu.dot_dimension_numbers<[1], [0], [0], [1], [0, 0, 1, 1], [], []>, transpose_lhs_hint = false} : vector<1000x128xf32>, vector<128x112xf32>, vector<1000x112xf32> -> vector<1000x112xf32>
    %mul3A = arith.mulf %broadcast_in_dim3A_12, %dot_general3A_19 : vector<1000x112xf32>
    %swap3A = arith.constant 0 : index
    %swap3A_20 = arith.constant 0 : index
    %swap3A_21 = vector.load %arg4[%swap3A, %swap3A_20] : memref<1000x112xf32, #tpu.memory_space<vmem>>, vector<1000x112xf32>
    tpu.vector_store %arg4[%swap3A, %swap3A_20], %mul3A {strides = array<i32>} : memref<1000x112xf32, #tpu.memory_space<vmem>>, vector<1000x112xf32>,
    return
  }
  func.func @transform_0(%arg0: i32) -> (i32, i32) {
    %c0_i32 = arith.constant 0 : i32
    %c0_i32_0 = arith.constant 0 : i32
    return %arg0, %c0_i32 : i32, i32
  }
  func.func @transform_1(%arg0: i32) -> (i32, i32) {
    %c0_i32 = arith.constant 0 : i32
    %c0_i32_0 = arith.constant 0 : i32
    %c0_i32_1 = arith.constant 0 : i32
    return %c0_i32, %c0_i32_0 : i32, i32
  }
  func.func @transform_2(%arg0: i32) -> (i32, i32, i32) {
    %c0_i32 = arith.constant 0 : i32
    %c0_i32_0 = arith.constant 0 : i32
    %c0_i32_1 = arith.constant 0 : i32
    return %c0_i32, %arg0, %c0_i32_0 : i32, i32, i32
  }
  func.func @transform_3(%arg0: i32) -> (i32, i32) {
    %c0_i32 = arith.constant 0 : i32
    %c0_i32_0 = arith.constant 0 : i32
    return %arg0, %c0_i32 : i32, i32
  }
}

module attributes {stable_mosaic.version = 14 : i64} {
  func.func @_epilogue_body(%arg0: i32, %arg1: memref<2x1000x112xf32, #tpu.memory_space<vmem>>, %arg2: memref<2x1000x16xf32, #tpu.memory_space<vmem>>, %arg3: memref<8x112xf32, #tpu.memory_space<vmem>>, %arg4: memref<1000x100xf32, #tpu.memory_space<vmem>>) attributes {dimension_semantics = [#tpu.dimension_semantics<arbitrary>], iteration_bounds = array<i64: 10>, scalar_prefetch = 0 : i64, scratch_operands = 0 : i64, tpu.core_type = #tpu.core_type<tc>, window_params = [{transform_indices = @transform_0, window_bounds = array<i64: 2, 1000, 112>}, {transform_indices = @transform_1, window_bounds = array<i64: 2, 1000, 16>}, {pipeline_mode = #tpu.pipeline_mode<synchronous>, transform_indices = @transform_2, window_bounds = array<i64: 8, 112>}, {transform_indices = @transform_3, window_bounds = array<i64: 1000, 100>}]} {
    %get3A = arith.constant 0 : index
    %get3A_0 = arith.constant 0 : index
    %get3A_1 = arith.constant 0 : index
    %get3A_2 = vector.load %arg2[%get3A, %get3A_0, %get3A_1] : memref<2x1000x16xf32, #tpu.memory_space<vmem>>, vector<1x1000x1xf32>
    %get3A_3 = vector.shape_cast %get3A_2 : vector<1x1000x1xf32> to vector<1000x1xf32>
    %get3A_4 = arith.constant 1 : index
    %get3A_5 = arith.constant 0 : index
    %get3A_6 = arith.constant 0 : index
    %get3A_7 = vector.load %arg2[%get3A_4, %get3A_5, %get3A_6] : memref<2x1000x16xf32, #tpu.memory_space<vmem>>, vector<1x1000x1xf32>
    %get3A_8 = vector.shape_cast %get3A_7 : vector<1x1000x1xf32> to vector<1000x1xf32>
    %add3A = arith.addf %get3A_3, %get3A_8 : vector<1000x1xf32>
    %add3A_9 = arith.constant 1.000000e+00 : f32
    %add3A_10 = vector.broadcast %add3A_9 : f32 to vector<1000x1xf32>
    %add3A_11 = arith.addf %add3A, %add3A_10 : vector<1000x1xf32>
    %rsqrt3A = math.rsqrt %add3A_11 : vector<1000x1xf32>
    %get3A_12 = arith.constant 0 : index
    %get3A_13 = arith.constant 0 : index
    %get3A_14 = arith.constant 0 : index
    %get3A_15 = vector.load %arg1[%get3A_12, %get3A_13, %get3A_14] : memref<2x1000x112xf32, #tpu.memory_space<vmem>>, vector<1x1000x112xf32>
    %get3A_16 = vector.shape_cast %get3A_15 : vector<1x1000x112xf32> to vector<1000x112xf32>
    %get3A_17 = arith.constant 1 : index
    %get3A_18 = arith.constant 0 : index
    %get3A_19 = arith.constant 0 : index
    %get3A_20 = vector.load %arg1[%get3A_17, %get3A_18, %get3A_19] : memref<2x1000x112xf32, #tpu.memory_space<vmem>>, vector<1x1000x112xf32>
    %get3A_21 = vector.shape_cast %get3A_20 : vector<1x1000x112xf32> to vector<1000x112xf32>
    %add3A_22 = arith.addf %get3A_16, %get3A_21 : vector<1000x112xf32>
    %mul3A = vector.broadcast %rsqrt3A : vector<1000x1xf32> to vector<1000x112xf32>
    %mul3A_23 = arith.mulf %mul3A, %add3A_22 : vector<1000x112xf32>
    %slice3A = vector.extract_strided_slice %mul3A_23 {offsets = [0, 0], sizes = [1000, 100], strides = [1, 1]} : vector<1000x112xf32> to vector<1000x100xf32>
    %get3A_24 = arith.constant 0 : index
    %get3A_25 = arith.constant 0 : index
    %get3A_26 = vector.load %arg3[%get3A_24, %get3A_25] : memref<8x112xf32, #tpu.memory_space<vmem>>, vector<1x100xf32>
    %add3A_27 = vector.broadcast %get3A_26 : vector<1x100xf32> to vector<1000x100xf32>
    %add3A_28 = arith.addf %slice3A, %add3A_27 : vector<1000x100xf32>
    %swap3A = arith.constant 0 : index
    %swap3A_29 = arith.constant 0 : index
    %swap3A_30 = vector.load %arg4[%swap3A, %swap3A_29] : memref<1000x100xf32, #tpu.memory_space<vmem>>, vector<1000x100xf32>
    tpu.vector_store %arg4[%swap3A, %swap3A_29], %add3A_28 {strides = array<i32>} : memref<1000x100xf32, #tpu.memory_space<vmem>>, vector<1000x100xf32>,
    return
  }
  func.func @transform_0(%arg0: i32) -> (i32, i32, i32) {
    %c0_i32 = arith.constant 0 : i32
    %c0_i32_0 = arith.constant 0 : i32
    %c0_i32_1 = arith.constant 0 : i32
    return %c0_i32, %arg0, %c0_i32_0 : i32, i32, i32
  }
  func.func @transform_1(%arg0: i32) -> (i32, i32, i32) {
    %c0_i32 = arith.constant 0 : i32
    %c0_i32_0 = arith.constant 0 : i32
    %c0_i32_1 = arith.constant 0 : i32
    return %c0_i32, %arg0, %c0_i32_0 : i32, i32, i32
  }
  func.func @transform_2(%arg0: i32) -> (i32, i32) {
    %c0_i32 = arith.constant 0 : i32
    %c0_i32_0 = arith.constant 0 : i32
    %c0_i32_1 = arith.constant 0 : i32
    return %c0_i32, %c0_i32_0 : i32, i32
  }
  func.func @transform_3(%arg0: i32) -> (i32, i32) {
    %c0_i32 = arith.constant 0 : i32
    %c0_i32_0 = arith.constant 0 : i32
    return %arg0, %c0_i32 : i32, i32
  }
}

</mosaic_0001>

<sc_bundles>
// kernel: kernel.6.cloned.1.call-start
scs
__scs_entry_jumppad:
0x0: {  	(pc) =	sbr.rel $0x88, $3  }
0x1: {  	(tag) =	ssettag $0x0;
	lr =	simm.s32 $0x1  }
0x2: {  	[smem:$0x3F9D] =	sst lr;
	_ =	strace $0xD0000000  }
0x3: {  	_ = 	snop  }
0x4: {  	_ = 	snop  }
0x5: {  	_ = 	snop  }
0x6: {  	_ = 	snop  }
0x7: {  	_ = 	snop  }
__scs_overlays_trampoline_lowered:
0x8: {  	[smem:$0x3FAC] =	sst s0  }
0x9: {  	[smem:$0x3FAD] =	sst s1  }
0xa: {  	[smem:$0x3FAE] =	sst s2  }
0xb: {  	[smem:$0x3FAF] =	sst s3  }
0xc: {  	[smem:$0x3FB0] =	sst s4  }
0xd: {  	[smem:$0x3FB1] =	sst s5  }
0xe: {  	[smem:$0x3FB2] =	sst s6  }
0xf: {  	[smem:$0x3FB3] =	sst s7  }
0x10: {  	[smem:$0x3FB4] =	sst s8  }
0x11: {  	[smem:$0x3FB5] =	sst s9;
	s0 =	simm.s32 @!p0 $0x0  }
0x12: {  	s1 =	sld [smem:$0x3F9B];
	s0 =	simm.s32 @p0 $0x1  }
0x13: {  	[smem:$0x3FB6] =	sst s0;
	s0 =	simm.s32 @!p1 $0x0  }
0x14: {  	s2 =	sld [smem:$0x3F9A];
	s0 =	simm.s32 @p1 $0x1  }
0x15: {  	[smem:$0x3FB7] =	sst s0;
	s0 =	simm.s32 @!p2 $0x0  }
0x16: {  	s3 =	sld [smem:$0x3FDB];
	s0 =	simm.s32 @p2 $0x1  }
0x17: {  	s4 =	simm.s32 $0x1BF5;
	[smem:$0x3FB9] =	sst s0  }
0x18: {  	s0 =	sld [smem:$0x3F9C];
	_ =	swait.ge [sflag:s4], $0x0  }
0x19: {  	s7 =	sld [smem:$0x3F9D]  }
0x1a: {  	s8 =	sadd.s32 $0xFFFFE003, lr  }
0x1b: {  	s9 =	sadd.s32 $0xFFFFFEF7, lr;
	s5 =	simm.s32 $0xFFFFFFFF;
	p2 =	slt.u32 s8, $0xFFFFF086  }
0x1c: {  	p1 =	slt.u32 s9, $0xF7A;
	s5 =	simm.s32 @!p2 $0x0  }
0x1d: {  	s5 =	simm.s32 @p1 $0x1;
	p0 =	seq.s32 s7, s2  }
0x1e: {  	s7 =	smul.u32 @!p0 $0xF7A, s2;
	p2 =	seq.s32 @!p0 s5, $0x0  }
0x1f: {  	s9 =	smul.u32 $0xF7A, s1;
	s8 =	simm.s32 @!p0 $0x1BF5;
	p2 =	por !p2, p0  }
0x20: {  	[sflag:s8] =	ssyncset.s32 @!p0 $0xFFFFF086;
	s6 =	sadd.s32 @!p0 s3, s7;
	s7 =	simm.s32 @!p0 $0x108  }
0x21: {  	s3 =	sadd.s32 s3, s9;
	s6 =	sadd.s32 @!p0 $0x88, s6;
	s7 =	simm.s32 @p2 $0x1082  }
0x22: {  	[simem:s7], [sflag:s8] =	dma.local @!p0 [hbm:s6], $0xF7A  }
0x23: {  	s9 =	sor.u32 $0xD0000000, s2;
	s6 =	simm.s32 $0x108;
	_ =	swait.ge @!p0 [sflag:s8], $0x0  }
0x24: {  	s3 =	sadd.s32 $0x88, s3;
	s6 =	simm.s32 @!p1 $0x1082;
	[sflag:s4] =	ssyncset.s32 $0xFFFFF086  }
0x25: {  	[simem:s6], [sflag:s4] =	dma.local [hbm:s3], $0xF7A  }
0x26: {  	[smem:$0x3F9D] =	sst s1;
	(tag) =	ssettag s2;
	_ =	strace s9  }
0x27: {  	s1 =	sld [smem:$0x3FAD]  }
0x28: {  	s2 =	sld [smem:$0x3FAE]  }
0x29: {  	s4 =	sld [smem:$0x3FB0]  }
0x2a: {  	p0 =	seq.s32 s5, $0x0;
	s5 =	sld [smem:$0x3FB1]  }
0x2b: {  	s6 =	sld [smem:$0x3FB2]  }
0x2c: {  	s7 =	sld [smem:$0x3FB3]  }
0x2d: {  	s3 =	simm.s32 $0x108;
	s8 =	sld [smem:$0x3FB4]  }
0x2e: {  	s3 =	simm.s32 @!p0 $0x1082;
	s9 =	sld [smem:$0x3FB5]  }
0x2f: {  	lr =	sadd.s32 s0, s3;
	s0 =	sld [smem:$0x3FAC]  }
0x30: {  	s3 =	sld [smem:$0x3FAF]  }
0x31: {  	[smem:$0x3FB8] =	sst s10  }
0x32: {  	s10 =	sld [smem:$0x3FB6];
	_ =	sdelay $0x3  }
0x33: {  	p0 =	seq.s32 s10, $0x1;
	s10 =	sld [smem:$0x3FB8];
	_ =	sdelay $0x3  }
0x34: {  	[smem:$0x3FB8] =	sst s10  }
0x35: {  	s10 =	sld [smem:$0x3FB7];
	_ =	sdelay $0x3  }
0x36: {  	p1 =	seq.s32 s10, $0x1;
	s10 =	sld [smem:$0x3FB8];
	_ =	sdelay $0x3  }
0x37: {  	[smem:$0x3FB8] =	sst s10  }
0x38: {  	s10 =	sld [smem:$0x3FB9]  }
0x39: {  	_ = 	snop;
	(pc) =	sbr.ind lr, $3  }
0x3a: {  	_ = 	snop  }
0x3b: {  	_ = 	snop  }
0x3c: {  	p2 =	seq.s32 s10, $0x1;
	s10 =	sld [smem:$0x3FB8]  }
0x3d: {  	_ =	shalt  }
0x3e: {  	_ =	shalt  }
0x3f: {  	_ =	shalt  }
0x40: {  	_ =	shalt  }
0x41: {  	_ =	shalt  }
0x42: {  	_ =	shalt  }
0x43: {  	_ =	shalt  }
0x44: {  	_ =	shalt  }
0x45: {  	_ =	shalt  }
0x46: {  	_ =	shalt  }
0x47: {  	_ =	shalt  }
0x48: {  	_ =	shalt  }
0x49: {  	_ =	shalt  }
0x4a: {  	_ =	shalt  }
0x4b: {  	_ =	shalt  }
0x4c: {  	_ =	shalt  }
0x4d: {  	_ =	shalt  }
0x4e: {  	_ =	shalt  }
0x4f: {  	_ =	shalt  }
0x50: {  	_ =	shalt  }
0x51: {  	_ =	shalt  }
0x52: {  	_ =	shalt  }
0x53: {  	_ =	shalt  }
0x54: {  	_ =	shalt  }
0x55: {  	_ =	shalt  }
0x56: {  	_ =	shalt  }
0x57: {  	_ =	shalt  }
0x58: {  	_ =	shalt  }
0x59: {  	_ =	shalt  }
0x5a: {  	_ =	shalt  }
0x5b: {  	_ =	shalt  }
0x5c: {  	_ =	shalt  }
0x5d: {  	_ =	shalt  }
0x5e: {  	_ =	shalt  }
0x5f: {  	_ =	shalt  }
0x60: {  	_ =	shalt  }
0x61: {  	_ =	shalt  }
0x62: {  	_ =	shalt  }
0x63: {  	_ =	shalt  }
0x64: {  	_ =	shalt  }
0x65: {  	_ =	shalt  }
0x66: {  	_ =	shalt  }
0x67: {  	_ =	shalt  }
0x68: {  	_ =	shalt  }
0x69: {  	_ =	shalt  }
0x6a: {  	_ =	shalt  }
0x6b: {  	_ =	shalt  }
0x6c: {  	_ =	shalt  }
0x6d: {  	_ =	shalt  }
0x6e: {  	_ =	shalt  }
0x6f: {  	_ =	shalt  }
0x70: {  	_ =	shalt  }
0x71: {  	_ =	shalt  }
0x72: {  	_ =	shalt  }
0x73: {  	_ =	shalt  }
0x74: {  	_ =	shalt  }
0x75: {  	_ =	shalt  }
0x76: {  	_ =	shalt  }
0x77: {  	_ =	shalt  }
0x78: {  	_ =	shalt  }
0x79: {  	_ =	shalt  }
0x7a: {  	_ =	shalt  }
0x7b: {  	_ =	shalt  }
0x7c: {  	_ =	shalt  }
0x7d: {  	_ =	shalt  }
0x7e: {  	_ =	shalt  }
0x7f: {  	_ =	shalt  }
0x80: {  	_ =	shalt  }
0x81: {  	_ =	shalt  }
0x82: {  	_ =	shalt  }
0x83: {  	_ =	shalt  }
0x84: {  	_ =	shalt  }
0x85: {  	_ =	shalt  }
0x86: {  	_ =	shalt  }
0x87: {  	_ =	shalt  }
.Lfunc_end0:
.L_simem_size_0:
called_computation_lowered:
.L_overlay_start_0:
0x88: {  	s2 =	sld [smem:$0x3FD9]  }
0x89: {  	s3 =	sld [smem:$0x3FFE];
	_ =	sdelay $0x1  }
0x8a: {  	s1 =	srdreg.scid  }
0x8b: {  	s0 =	sand.u32 $0x1, s1  }
0x8c: {  	s16 =	sshll.u32 s0, $0xA;
	s2 =	sadd.s32 s3, s2  }
0x8d: {  	s2 =	sadd.s32 s2, s16  }
0x8e: {  	[smem:$0x3FC4] =	sst s2  }
0x8f: {  	_ = 	snop  }
0x90: {  	(tm) =	ssettm $0x1  }
0x91: {  	s17 =	sld [smem:$0x3FFB];
	_ =	sdelay $0x3  }
0x92: {  	_ =	strace s17  }
0x93: {  	s2 =	sld [smem:$0x3FFC];
	_ =	sdelay $0x3  }
0x94: {  	_ =	strace s2  }
0x95: {  	s2 =	sld [smem:$0x3FFD];
	_ =	sdelay $0x3  }
0x96: {  	_ =	strace s2  }
0x97: {  	_ =	strace $0x8FFFFFFF  }
0x98: {  	s18 =	sld [smem:$0x3FDB];
	_ =	sdelay $0x1  }
0x99: {  	s19 =	simm.s32 $_scs_section_size  }
0x9a: {  	s4 =	simm.s32 $_size__tile_overlayer_lowered;
	s5 =	simm.s32 $_tile_overlayer_lowered  }
0x9b: {  	s22 =	simm.s32 $0x1BFF;
	s21 =	sshll.u32 s5, $0x1;
	s2 =	sadd.s32 s19, s18  }
0x9c: {  	s6 =	simm.s32 $0x0;
	s20 =	sshll.u32 s4, $0x1;
	s4 =	sadd.s32 s21, s2  }
0x9d: {  	[timem:s6], [sflag:s22] =	dma.local [hbm:s4], s20  }
0x9e: {  	_ =	swait.ge [sflag:s22], s20  }
0x9f: {  	s3 =	ssub.s32 $0x0, s20;
	[sflag:s22] =	ssyncset.done $0x0  }
0xa0: {  	[sflag:s22] =	ssyncadd.s32 s3;
	_ =	sdelay $0x1  }
0xa1: {  	s23 =	simm.s32 $0x1B8B  }
0xa2: {  	_ =	swait.ge [sflag:s23], $0x1  }
0xa3: {  	[sflag:s23] =	ssyncset.done $0x0  }
0xa4: {  	s25 =	simm.s32 $0x1B8E;
	s24 =	sld [smem:$0x3FFE];
	[sflag:s23] =	ssyncadd.s32 $0xFFFFFFFF  }
0xa5: {  	s26 =	simm.s32 $execute0_lowered;
	[smem:$0x3FD2] =	sst s25  }
0xa6: {  	s4 =	sshll.u32 s26, $0x1;
	_ =	strace $0x80000046;
	[dreg:$0x1] =	wrdreg $0xFFFFFFFF  }
0xa7: {  	s28 =	simm.s32 $_size_execute0_lowered;
	s2 =	sadd.s32 s2, s4;
	[dreg:$0x0] =	wrdreg $0x0  }
0xa8: {  	s4 =	sshll.u32 s28, $0x1;
	[dreg:$0x2] =	wrdreg s2  }
0xa9: {  	[dreg:$0x3] =	wrdreg s4  }
0xaa: {  	[dreg:$0x4] =	wrdreg $0xC0  }
0xab: {  	_ =	task [dreg:s6], $0x5FFFF  }
0xac: {  	[dreg:$0x1] =	wrdreg $0xFFFFFFFF  }
0xad: {  	[dreg:$0x0] =	wrdreg $0x60  }
0xae: {  	[dreg:$0x2] =	wrdreg s24  }
0xaf: {  	[dreg:$0x3] =	wrdreg $0x2F800  }
0xb0: {  	[dreg:$0x4] =	wrdreg $0x9  }
0xb1: {  	_ =	task.clear_ibuf [dreg:s6], $0x5FFFF;
	_ =	strace $0x90000046  }
0xb2: {  	s29 =	simm.s32 $0x9;
	_ =	strace $0x80000048  }
0xb3: {  	_ =	swait.ge [sflag:s29], $0x1  }
0xb4: {  	[sflag:s29] =	ssyncadd.s32 $0xFFFFFFFF  }
0xb5: {  	_ =	strace $0x90000048  }
0xb6: {  	_ =	sfence  }
0xb7: {  	s30 =	sld [smem:$0x0];
	_ =	sdelay $0x2  }
0xb8: {  	s31 =	sshll.u32 s1, $0xD;
	s1 =	sshrl.u32 s1, $0x2  }
0xb9: {  	s3 =	sand.u32 $0x4000, s31;
	s1 =	sadd.s32 s1, s30  }
0xba: {  	s0 =	sor.u32 s3, s0;
	s1 =	sshll.u32 s1, $0x11  }
0xbb: {  	s0 =	sor.u32 s1, s0  }
0xbc: {  	s0 =	sadd.s32 $0x8F2B, s0  }
0xbd: {  	[sflag:s0] =	ssyncadd.remote.s32 $0x1  }
0xbe: {  	_ =	sfence.sel $0xFFFF  }
0xbf: {  	[dreg:$0x0] =	wrdreg $0xFFFFFFFF;
	(pc) =	sbr.abs _section_cstart, $3  }
0xc0: {  	[dreg:$0x1] =	wrdreg $0xFFFFFFFF  }
0xc1: {  	_ =	task.clear_ibuf [dreg:s6], $0x2FFFF;
	_ =	strace $0x9FFFFFFF  }
0xc2: {  	(tm) =	ssettm $0x7FFFFFFF  }
0xc3: {  	_ =	shalt  }
tec
execute0_lowered:
.L_overlay_start_1:
0x0: {  	(tag) =	ssettag $0x1  }
0x1: {  	s6 =	rddreg [dreg:$0x0]  }
0x2: {  	s2 =	rddreg [dreg:$0x1]  }
0x3: {  	s0 =	rddreg [dreg:$0x2]  }
0x4: {  	s4 =	srdreg.scid;
	s1 =	stileid.u32;
	s3 =	simm.s32 $0x0  }
0x5: {  	s14 =	simm.s32 $0x80;
	s15 =	simm.s32 $0x1;
	s16 =	simm.s32 $0x0  }
0x6: {  	s7 =	sand.u32 $0x1, s4;
	s8 =	smul.u32 $0x2710, s1;
	[smem:$0x7FF] =	sst s3  }
0x7: {  	s10 =	sadd.s32 $0xE00, s6;
	s4 =	sadd.s32 $0xAC00, s6;
	s5 =	sadd.s32 $0xB200, s6  }
0x8: {  	s12 =	sshll.u32 s1, $0x1;
	s30 =	sshll.u32 s1, $0x6;
	p0 =	sgt.u32 s1, $0x1  }
0x9: {  	s9 =	smul.u32 $0x27100, s7;
	s11 =	ssub.s32 $0x2, s7;
	s7 =	sor.u32 s7, s12  }
0xa: {  	_ =	strace $0x80000047;
	s28 =	sshrl.u32 s11, $0x1;
	s12 =	smul.u32 $0x4E0, s7  }
0xb: {  	s29 =	sshll.u32 s7, $0x4;
	s13 =	sadd.s32 s8, s2;
	s9 =	sadd.s32 s8, s9  }
0xc: {  	s11 =	ssub.s32 s11, s28;
	s31 =	sadd.s32 s29, s10;
	s9 =	sshrl.u32 s9, $0x3  }
0xd: {  	s7 =	sadd.s32 s10, s12;
	s8 =	sadd.s32 $0x9C00, s31;
	s10 =	smax.u32 s11, $0x1  }
0xe: {  	s11 =	sshrl.u32 s13, $0x3;
	s12 =	simm.s32 $0x2;
	s9 =	sadd.s32 s9, s6  }
0xf: {  	s13 =	simm.s32 $0x2780;
	s6 =	sor.u32 $0x1C02, s30;
	s9 =	sadd.s32 $0xB400, s9  }
.LBB2_1:
0x10: {  	[spmem:s11], [sflag:s6] =	dma.local [hbm:s4], $0x4E2  }
0x11: {  	_ =	swait.ge [sflag:s12], $0x4E2  }
0x12: {  	[sflag:s12] =	ssyncset.done $0x0  }
0x13: {  	[sflag:s12] =	ssyncadd.s32 $0xFFFFFB1E  }
0x14: {  	[tilespmem:s3], [sflag:$0x2] =	stream.linear.gather [hbm4b:s7+s3], $0x2700, $0x38;
	[tilespmem:$0x5690] =	vst v63  }
0x15: {  	_ =	swait.ge [sflag:s12], $0x2700  }
0x16: {  	[sflag:s12] =	ssyncset.done $0x0  }
0x17: {  	[sflag:s12] =	ssyncadd.s32 $0xFFFFD900  }
0x18: {  	[tilespmem:s13], [sflag:$0x2] =	stream.linear.gather [hbm4b:s5+s3], $0x800, $0x38;
	[tilespmem:$0x5690] =	vst v63  }
0x19: {  	_ =	swait.ge [sflag:s12], $0x800  }
0x1a: {  	[sflag:s12] =	ssyncset.done $0x0  }
0x1b: {  	s17 =	simm.s32 @!p0 $0x0;
	s18 =	simm.s32 @!p0 $0x2700;
	[sflag:s12] =	ssyncadd.s32 $0xFFFFF800  }
0x1c: {  	[tilespmem:s18], [sflag:$0x2] =	stream.linear.gather @!p0 [hbm4b:s8+s17], $0x80, $0x38;
	[tilespmem:$0x5690] =	vst v63  }
0x1d: {  	s17 =	simm.s32 @!p0 $0x2  }
0x1e: {  	_ =	swait.ge @!p0 [sflag:s17], $0x80  }
0x1f: {  	[sflag:s17] =	ssyncset.done @!p0 $0x0  }
0x20: {  	[sflag:s17] =	ssyncadd.s32 @!p0 $0xFFFFFF80  }
0x21: {  	s18 =	simm.s32 $0x0;
	s17 =	simm.s32 $0x200;
	[bflag:$0x0] =	sbarrier.arrive $0xFFFF  }
.LBB2_2:
0x22: {  	[spmem:s2] =	stream.indirect.scatter.add.f32 [tilespmem:s13], [sflag:$0x1], $0x10, s18, s14, $0xb8;
	[tilespmem:$0x5690] =	vst v63  }
0x23: {  	s18 =	smov.u32 s17;
	p1 =	sne.s32 s17, $0x9A00  }
.Ltmp0:
0x24: {  	s17 =	sadd.s32 $0x200, s17;
	(pc) =	sbr.rel @p1 .LBB2_2-.Ltmp0, $2  }
0x25: {  	_ =	sdelay $0x2  }
0x26: {  	s18 =	sshra.s32 s18, $0x2  }
0x27: {  	[spmem:s2] =	stream.indirect.scatter.add.f32 [tilespmem:s13], [sflag:$0x1], $0x10, s18, s14, $0xb8;
	[tilespmem:$0x5690] =	vst v63  }
0x28: {  	s17 =	simm.s32 @!p0 $0x80;
	s18 =	simm.s32 @!p0 $0x2700;
	s19 =	simm.s32 @!p0 $0x2780  }
0x29: {  	[spmem:s2] =	stream.indirect.scatter.add.f32 @!p0 [tilespmem:s19], [sflag:$0x2], $0x10, s18, s17, $0xb8;
	[tilespmem:$0x5690] =	vst v63  }
0x2a: {  	s17 =	simm.s32 @!p0 $0x2  }
0x2b: {  	_ =	swait.ge @!p0 [sflag:s17], $0x800  }
0x2c: {  	[sflag:s17] =	ssyncset.done @!p0 $0x0  }
0x2d: {  	[sflag:s17] =	ssyncadd.s32 @!p0 $0xFFFFF800  }
0x2e: {  	_ =	swait.ge [sflag:s15], $0x800  }
0x2f: {  	s17 =	simm.s32 $0x4D;
	[sflag:s15] =	ssyncset.done $0x0  }
.LBB2_4:
0x30: {  	p1 =	sne.s32 s17, $0x1;
	s17 =	sadd.s32 $0xFFFFFFFF, s17;
	[sflag:s15] =	ssyncadd.s32 $0xFFFFF800  }
.Ltmp1:
0x31: {  	(pc) =	sbr.rel @p1 .LBB2_4-.Ltmp1, $3  }
0x32: {  	_ =	sdelay $0x1  }
0x33: {  	_ =	swait.ge [sflag:s15], $0x800  }
0x34: {  	[sflag:s15] =	ssyncset.done $0x0  }
0x35: {  	s16 =	sadd.s32 $0x1, s16  }
0x36: {  	[sflag:s15] =	ssyncadd.s32 $0xFFFFF800;
	p1 =	sne.s32 s16, s10  }
.Ltmp2:
0x37: {  	[bflag:$0x0] =	sbarrier.arrive $0xFFFF;
	(pc) =	sbr.rel @p1 .LBB2_1-.Ltmp2, $4  }
0x38: {  	[hbm:s9], [sflag:s6] =	dma.local [spmem:s11], $0x4E2  }
0x39: {  	_ =	swait.ge [sflag:s12], $0x4E2  }
0x3a: {  	[sflag:s12] =	ssyncset.done $0x0  }
0x3b: {  	[sflag:s12] =	ssyncadd.s32 $0xFFFFFB1E  }
0x3c: {  	_ =	sfence.sel $0x180000  }
0x3d: {  	[bflag:$0x0] =	sbarrier.arrive $0xFFFF  }
0x3e: {  	p0 =	sne.s32 s1, $0x0;
	_ =	strace $0x90000047  }
0x3f: {  	s0 =	sadd.s32 @!p0 $0x100000, s0;
	[bflag:$0x2] =	sbarrier.arrive $0xFFFF  }
0x40: {  	[sflag:s0] =	ssyncadd.tile.s32 @!p0 $0x1;
	_ =	shalt  }
.Lfunc_end2:
_tile_overlayer_lowered:
.L_overlay_start_2:
0x41: {  	(tag) =	ssettag $0x2  }
0x42: {  	s0 =	rddreg [dreg:$0x0];
	s2 =	stileid.u32  }
0x43: {  	s1 =	rddreg [dreg:$0x1];
	p0 =	sne.s32 s2, $0x0  }
0x44: {  	s3 =	rddreg [dreg:$0x2];
	[bflag:$0x3] =	sbarrier.arrive $0xFFFF;
	s2 =	simm.s32 @!p0 $0x1C02  }
0x45: {  	[timem:s3], [sflag:s2] =	dma.local @!p0 [hbm:s0], s1  }
0x46: {  	s0 =	simm.s32 @!p0 $0x2  }
0x47: {  	_ =	swait.ge @!p0 [sflag:s0], s1  }
0x48: {  	s1 =	ssub.s32 @!p0 $0x0, s1;
	[sflag:s0] =	ssyncset.done @!p0 $0x0  }
0x49: {  	[sflag:s0] =	ssyncadd.s32 @!p0 s1  }
0x4a: {  	[bflag:$0x3] =	sbarrier.arrive $0xFFFF  }
0x4b: {  	_ =	shalt  }

// kernel: kernel.9.cloned.1.call-start
scs
__scs_entry_jumppad:
0x0: {  	(pc) =	sbr.rel $0x88, $3  }
0x1: {  	(tag) =	ssettag $0x0;
	lr =	simm.s32 $0x1  }
0x2: {  	[smem:$0x3F9D] =	sst lr;
	_ =	strace $0xD0000000  }
0x3: {  	_ = 	snop  }
0x4: {  	_ = 	snop  }
0x5: {  	_ = 	snop  }
0x6: {  	_ = 	snop  }
0x7: {  	_ = 	snop  }
__scs_overlays_trampoline_lowered:
0x8: {  	[smem:$0x3FAC] =	sst s0  }
0x9: {  	[smem:$0x3FAD] =	sst s1  }
0xa: {  	[smem:$0x3FAE] =	sst s2  }
0xb: {  	[smem:$0x3FAF] =	sst s3  }
0xc: {  	[smem:$0x3FB0] =	sst s4  }
0xd: {  	[smem:$0x3FB1] =	sst s5  }
0xe: {  	[smem:$0x3FB2] =	sst s6  }
0xf: {  	[smem:$0x3FB3] =	sst s7  }
0x10: {  	[smem:$0x3FB4] =	sst s8  }
0x11: {  	[smem:$0x3FB5] =	sst s9;
	s0 =	simm.s32 @!p0 $0x0  }
0x12: {  	s1 =	sld [smem:$0x3F9B];
	s0 =	simm.s32 @p0 $0x1  }
0x13: {  	[smem:$0x3FB6] =	sst s0;
	s0 =	simm.s32 @!p1 $0x0  }
0x14: {  	s2 =	sld [smem:$0x3F9A];
	s0 =	simm.s32 @p1 $0x1  }
0x15: {  	[smem:$0x3FB7] =	sst s0;
	s0 =	simm.s32 @!p2 $0x0  }
0x16: {  	s3 =	sld [smem:$0x3FDB];
	s0 =	simm.s32 @p2 $0x1  }
0x17: {  	s4 =	simm.s32 $0x1BF5;
	[smem:$0x3FB9] =	sst s0  }
0x18: {  	s0 =	sld [smem:$0x3F9C];
	_ =	swait.ge [sflag:s4], $0x0  }
0x19: {  	s7 =	sld [smem:$0x3F9D]  }
0x1a: {  	s8 =	sadd.s32 $0xFFFFE003, lr  }
0x1b: {  	s9 =	sadd.s32 $0xFFFFFEF7, lr;
	s5 =	simm.s32 $0xFFFFFFFF;
	p2 =	slt.u32 s8, $0xFFFFF086  }
0x1c: {  	p1 =	slt.u32 s9, $0xF7A;
	s5 =	simm.s32 @!p2 $0x0  }
0x1d: {  	s5 =	simm.s32 @p1 $0x1;
	p0 =	seq.s32 s7, s2  }
0x1e: {  	s7 =	smul.u32 @!p0 $0xF7A, s2;
	p2 =	seq.s32 @!p0 s5, $0x0  }
0x1f: {  	s9 =	smul.u32 $0xF7A, s1;
	s8 =	simm.s32 @!p0 $0x1BF5;
	p2 =	por !p2, p0  }
0x20: {  	[sflag:s8] =	ssyncset.s32 @!p0 $0xFFFFF086;
	s6 =	sadd.s32 @!p0 s3, s7;
	s7 =	simm.s32 @!p0 $0x108  }
0x21: {  	s3 =	sadd.s32 s3, s9;
	s6 =	sadd.s32 @!p0 $0x88, s6;
	s7 =	simm.s32 @p2 $0x1082  }
0x22: {  	[simem:s7], [sflag:s8] =	dma.local @!p0 [hbm:s6], $0xF7A  }
0x23: {  	s9 =	sor.u32 $0xD0000000, s2;
	s6 =	simm.s32 $0x108;
	_ =	swait.ge @!p0 [sflag:s8], $0x0  }
0x24: {  	s3 =	sadd.s32 $0x88, s3;
	s6 =	simm.s32 @!p1 $0x1082;
	[sflag:s4] =	ssyncset.s32 $0xFFFFF086  }
0x25: {  	[simem:s6], [sflag:s4] =	dma.local [hbm:s3], $0xF7A  }
0x26: {  	[smem:$0x3F9D] =	sst s1;
	(tag) =	ssettag s2;
	_ =	strace s9  }
0x27: {  	s1 =	sld [smem:$0x3FAD]  }
0x28: {  	s2 =	sld [smem:$0x3FAE]  }
0x29: {  	s4 =	sld [smem:$0x3FB0]  }
0x2a: {  	p0 =	seq.s32 s5, $0x0;
	s5 =	sld [smem:$0x3FB1]  }
0x2b: {  	s6 =	sld [smem:$0x3FB2]  }
0x2c: {  	s7 =	sld [smem:$0x3FB3]  }
0x2d: {  	s3 =	simm.s32 $0x108;
	s8 =	sld [smem:$0x3FB4]  }
0x2e: {  	s3 =	simm.s32 @!p0 $0x1082;
	s9 =	sld [smem:$0x3FB5]  }
0x2f: {  	lr =	sadd.s32 s0, s3;
	s0 =	sld [smem:$0x3FAC]  }
0x30: {  	s3 =	sld [smem:$0x3FAF]  }
0x31: {  	[smem:$0x3FB8] =	sst s10  }
0x32: {  	s10 =	sld [smem:$0x3FB6];
	_ =	sdelay $0x3  }
0x33: {  	p0 =	seq.s32 s10, $0x1;
	s10 =	sld [smem:$0x3FB8];
	_ =	sdelay $0x3  }
0x34: {  	[smem:$0x3FB8] =	sst s10  }
0x35: {  	s10 =	sld [smem:$0x3FB7];
	_ =	sdelay $0x3  }
0x36: {  	p1 =	seq.s32 s10, $0x1;
	s10 =	sld [smem:$0x3FB8];
	_ =	sdelay $0x3  }
0x37: {  	[smem:$0x3FB8] =	sst s10  }
0x38: {  	s10 =	sld [smem:$0x3FB9]  }
0x39: {  	_ = 	snop;
	(pc) =	sbr.ind lr, $3  }
0x3a: {  	_ = 	snop  }
0x3b: {  	_ = 	snop  }
0x3c: {  	p2 =	seq.s32 s10, $0x1;
	s10 =	sld [smem:$0x3FB8]  }
0x3d: {  	_ =	shalt  }
0x3e: {  	_ =	shalt  }
0x3f: {  	_ =	shalt  }
0x40: {  	_ =	shalt  }
0x41: {  	_ =	shalt  }
0x42: {  	_ =	shalt  }
0x43: {  	_ =	shalt  }
0x44: {  	_ =	shalt  }
0x45: {  	_ =	shalt  }
0x46: {  	_ =	shalt  }
0x47: {  	_ =	shalt  }
0x48: {  	_ =	shalt  }
0x49: {  	_ =	shalt  }
0x4a: {  	_ =	shalt  }
0x4b: {  	_ =	shalt  }
0x4c: {  	_ =	shalt  }
0x4d: {  	_ =	shalt  }
0x4e: {  	_ =	shalt  }
0x4f: {  	_ =	shalt  }
0x50: {  	_ =	shalt  }
0x51: {  	_ =	shalt  }
0x52: {  	_ =	shalt  }
0x53: {  	_ =	shalt  }
0x54: {  	_ =	shalt  }
0x55: {  	_ =	shalt  }
0x56: {  	_ =	shalt  }
0x57: {  	_ =	shalt  }
0x58: {  	_ =	shalt  }
0x59: {  	_ =	shalt  }
0x5a: {  	_ =	shalt  }
0x5b: {  	_ =	shalt  }
0x5c: {  	_ =	shalt  }
0x5d: {  	_ =	shalt  }
0x5e: {  	_ =	shalt  }
0x5f: {  	_ =	shalt  }
0x60: {  	_ =	shalt  }
0x61: {  	_ =	shalt  }
0x62: {  	_ =	shalt  }
0x63: {  	_ =	shalt  }
0x64: {  	_ =	shalt  }
0x65: {  	_ =	shalt  }
0x66: {  	_ =	shalt  }
0x67: {  	_ =	shalt  }
0x68: {  	_ =	shalt  }
0x69: {  	_ =	shalt  }
0x6a: {  	_ =	shalt  }
0x6b: {  	_ =	shalt  }
0x6c: {  	_ =	shalt  }
0x6d: {  	_ =	shalt  }
0x6e: {  	_ =	shalt  }
0x6f: {  	_ =	shalt  }
0x70: {  	_ =	shalt  }
0x71: {  	_ =	shalt  }
0x72: {  	_ =	shalt  }
0x73: {  	_ =	shalt  }
0x74: {  	_ =	shalt  }
0x75: {  	_ =	shalt  }
0x76: {  	_ =	shalt  }
0x77: {  	_ =	shalt  }
0x78: {  	_ =	shalt  }
0x79: {  	_ =	shalt  }
0x7a: {  	_ =	shalt  }
0x7b: {  	_ =	shalt  }
0x7c: {  	_ =	shalt  }
0x7d: {  	_ =	shalt  }
0x7e: {  	_ =	shalt  }
0x7f: {  	_ =	shalt  }
0x80: {  	_ =	shalt  }
0x81: {  	_ =	shalt  }
0x82: {  	_ =	shalt  }
0x83: {  	_ =	shalt  }
0x84: {  	_ =	shalt  }
0x85: {  	_ =	shalt  }
0x86: {  	_ =	shalt  }
0x87: {  	_ =	shalt  }
.Lfunc_end0:
.L_simem_size_0:
called_computation.1_lowered:
.L_overlay_start_0:
0x88: {  	s2 =	sld [smem:$0x3FD9]  }
0x89: {  	s3 =	sld [smem:$0x3FFE];
	_ =	sdelay $0x1  }
0x8a: {  	s1 =	srdreg.scid  }
0x8b: {  	s0 =	sand.u32 $0x1, s1  }
0x8c: {  	s17 =	sshll.u32 s0, $0xA;
	s2 =	sadd.s32 s3, s2  }
0x8d: {  	s2 =	sadd.s32 s2, s17  }
0x8e: {  	[smem:$0x3FC4] =	sst s2  }
0x8f: {  	_ = 	snop  }
0x90: {  	s2 =	sld [smem:$0x3FD0];
	(tm) =	ssettm $0x1  }
0x91: {  	s18 =	sld [smem:$0x3FFB];
	_ =	sdelay $0x3  }
0x92: {  	_ =	strace s18  }
0x93: {  	s3 =	sld [smem:$0x3FFC];
	_ =	sdelay $0x3  }
0x94: {  	_ =	strace s3  }
0x95: {  	s3 =	sld [smem:$0x3FFD];
	_ =	sdelay $0x3  }
0x96: {  	_ =	strace s3  }
0x97: {  	_ =	strace $0x8FFFFFFF  }
0x98: {  	s19 =	sld [smem:$0x3FDB];
	_ =	sdelay $0x1  }
0x99: {  	s4 =	simm.s32 $_scs_section_size  }
0x9a: {  	s5 =	simm.s32 $_size__tile_overlayer_lowered;
	s6 =	simm.s32 $_tile_overlayer_lowered  }
0x9b: {  	s22 =	simm.s32 $0x1BFF;
	s21 =	sshll.u32 s6, $0x1;
	s3 =	sadd.s32 s4, s19  }
0x9c: {  	s7 =	simm.s32 $0x0;
	s20 =	sshll.u32 s5, $0x1;
	s5 =	sadd.s32 s21, s3  }
0x9d: {  	[timem:s7], [sflag:s22] =	dma.local [hbm:s5], s20  }
0x9e: {  	_ =	swait.ge [sflag:s22], s20  }
0x9f: {  	s4 =	ssub.s32 $0x0, s20;
	[sflag:s22] =	ssyncset.done $0x0  }
0xa0: {  	[sflag:s22] =	ssyncadd.s32 s4;
	_ =	sdelay $0x1  }
0xa1: {  	s23 =	simm.s32 $0x1B8B  }
0xa2: {  	_ =	swait.ge [sflag:s23], $0x1  }
0xa3: {  	[sflag:s23] =	ssyncset.done $0x0  }
0xa4: {  	s25 =	simm.s32 $0x1B8E;
	s24 =	sld [smem:$0x3FFE];
	[sflag:s23] =	ssyncadd.s32 $0xFFFFFFFF  }
0xa5: {  	s26 =	simm.s32 $execute0_lowered;
	[smem:$0x3FD2] =	sst s25  }
0xa6: {  	s5 =	sshll.u32 s26, $0x1;
	_ =	strace $0x80000049;
	[dreg:$0x1] =	wrdreg $0xFFFFFFFF  }
0xa7: {  	s28 =	simm.s32 $_size_execute0_lowered;
	s3 =	sadd.s32 s3, s5;
	[dreg:$0x0] =	wrdreg $0x0  }
0xa8: {  	s5 =	sshll.u32 s28, $0x1;
	[dreg:$0x2] =	wrdreg s3  }
0xa9: {  	[dreg:$0x3] =	wrdreg s5  }
0xaa: {  	[dreg:$0x4] =	wrdreg $0xC0  }
0xab: {  	_ =	task [dreg:s7], $0x5FFFF  }
0xac: {  	[dreg:$0x1] =	wrdreg $0xFFFFFFFF  }
0xad: {  	[dreg:$0x0] =	wrdreg $0x60  }
0xae: {  	[dreg:$0x2] =	wrdreg s24  }
0xaf: {  	[dreg:$0x3] =	wrdreg s2  }
0xb0: {  	[dreg:$0x4] =	wrdreg $0xD0000  }
0xb1: {  	[dreg:$0x5] =	wrdreg $0x9  }
0xb2: {  	_ =	task.clear_ibuf [dreg:s7], $0x6FFFF;
	_ =	strace $0x90000049  }
0xb3: {  	s29 =	simm.s32 $0x9;
	_ =	strace $0x8000004B  }
0xb4: {  	_ =	swait.ge [sflag:s29], $0x1  }
0xb5: {  	[sflag:s29] =	ssyncadd.s32 $0xFFFFFFFF  }
0xb6: {  	_ =	strace $0x9000004B  }
0xb7: {  	_ =	sfence  }
0xb8: {  	s30 =	sld [smem:$0x0];
	_ =	sdelay $0x2  }
0xb9: {  	s31 =	sshll.u32 s1, $0xD;
	s1 =	sshrl.u32 s1, $0x2  }
0xba: {  	s3 =	sand.u32 $0x4000, s31;
	s1 =	sadd.s32 s1, s30  }
0xbb: {  	s0 =	sor.u32 s3, s0;
	s1 =	sshll.u32 s1, $0x11  }
0xbc: {  	s0 =	sor.u32 s1, s0  }
0xbd: {  	s0 =	sadd.s32 $0x8F2B, s0  }
0xbe: {  	[sflag:s0] =	ssyncadd.remote.s32 $0x1  }
0xbf: {  	_ =	sfence.sel $0xFFFF  }
0xc0: {  	[dreg:$0x0] =	wrdreg $0xFFFFFFFF;
	(pc) =	sbr.abs _section_cstart, $3  }
0xc1: {  	[dreg:$0x1] =	wrdreg $0xFFFFFFFF  }
0xc2: {  	_ =	task.clear_ibuf [dreg:s7], $0x2FFFF;
	_ =	strace $0x9FFFFFFF  }
0xc3: {  	(tm) =	ssettm $0x7FFFFFFF  }
tec
execute0_lowered:
.L_overlay_start_1:
0x0: {  	(tag) =	ssettag $0x1  }
0x1: {  	s0 =	rddreg [dreg:$0x0]  }
0x2: {  	s1 =	rddreg [dreg:$0x1];
	s3 =	srdreg.scid  }
0x3: {  	s26 =	stileid.u32;
	s2 =	rddreg [dreg:$0x2]  }
0x4: {  	s28 =	simm.s32 $0x6;
	s29 =	simm.s32 $0x2;
	s30 =	simm.s32 $0x4  }
0x5: {  	s31 =	simm.s32 $0x3;
	s7 =	sand.u32 $0x1, s3;
	s6 =	smul.u32 $0x11170, s26  }
0x6: {  	s3 =	simm.s32 $0x0;
	s4 =	sadd.s32 $0x58E00, s0;
	s9 =	sadd.s32 $0xE00, s0  }
0x7: {  	s11 =	sshll.u32 s26, $0x1;
	s12 =	smul.u32 $0x445C0, s26;
	p1 =	sgt.u32 s26, $0x1  }
0x8: {  	s5 =	smul.u32 $0x111700, s7;
	[smem:$0x7FF] =	sst s3;
	s10 =	ssub.s32 $0x2, s7  }
0x9: {  	s11 =	sor.u32 s7, s11;
	p0 =	sne.s32 s7, $0x0;
	s7 =	simm.s32 $0x1300  }
0xa: {  	_ =	strace $0x8000004A;
	s18 =	sshrl.u32 s10, $0x1;
	s20 =	smul.u32 $0x2700, s11  }
0xb: {  	s19 =	sshrl.u32 s12, $0x2;
	s13 =	sshrl.u32 s6, $0x3;
	s14 =	smul.u32 $0x4E0, s11  }
0xc: {  	s11 =	sshll.u32 s11, $0x4;
	s8 =	sadd.s32 s6, s5;
	s5 =	sadd.s32 $0x7B200, s0  }
0xd: {  	s6 =	sadd.s32 s6, s2;
	s13 =	sadd.s32 s4, s13;
	s11 =	sor.u32 $0x9C00, s11  }
0xe: {  	s8 =	sshrl.u32 s8, $0x3;
	[dreg:$0x4] =	wrdreg s13;
	s12 =	sshrl.u32 s20, $0x3  }
0xf: {  	s21 =	sadd.s32 s1, s14;
	s22 =	sadd.s32 s9, s14;
	s24 =	sadd.s32 s9, s11  }
0x10: {  	s15 =	smov.u32 s6;
	s20 =	simm.s32 $0x7;
	[dreg:$0x5] =	wrdreg s21  }
0x11: {  	s0 =	sadd.s32 s8, s0;
	s8 =	ssub.s32 s10, s18;
	[dreg:$0x6] =	wrdreg s22  }
0x12: {  	s10 =	sadd.s32 s19, s2;
	s12 =	sadd.s32 $0x270, s12;
	[dreg:$0xa] =	wrdreg s24  }
0x13: {  	s19 =	sshrl.u32 @!p0 s6, $0x3;
	s21 =	simm.s32 $0x9800;
	s22 =	simm.s32 $0x1400  }
0x14: {  	s24 =	simm.s32 $0x2800;
	s23 =	sadd.s32 s1, s12;
	s12 =	sadd.s32 s9, s12  }
0x15: {  	s1 =	sadd.s32 s1, s11;
	s0 =	sadd.s32 $0x7D600, s0;
	[dreg:$0x7] =	wrdreg s23  }
0x16: {  	s25 =	smax.u32 s8, $0x1;
	s17 =	sshrl.u32 @p0 s10, $0x3;
	[dreg:$0x8] =	wrdreg s12  }
0x17: {  	s8 =	simm.s32 $0x2680;
	s9 =	simm.s32 $0x2700;
	[dreg:$0x9] =	wrdreg s1  }
0x18: {  	s10 =	simm.s32 $0x0;
	[dreg:$0xb] =	wrdreg s0;
	s0 =	sshll.u32 @p0 s26, $0x6  }
0x19: {  	[dreg:$0xc] =	wrdreg s25;
	s23 =	simm.s32 $0x80;
	s25 =	simm.s32 $0x6000  }
0x1a: {  	s1 =	simm.s32 $0x5;
	s16 =	sor.u32 @p0 $0x1C07, s0;
	s0 =	sshll.u32 @!p0 s26, $0x6  }
0x1b: {  	s26 =	simm.s32 $0x1;
	s18 =	sor.u32 @!p0 $0x1C07, s0;
	s0 =	simm.s32 $0x2600  }
.LBB2_1:
0x1c: {  	[spmem:s17], [sflag:s16] =	dma.local @p0 [hbm:s5], $0x222E  }
0x1d: {  	s6 =	rddreg [dreg:$0x4]  }
0x1e: {  	[spmem:s19], [sflag:s18] =	dma.local @!p0 [hbm:s6], $0x222E  }
0x1f: {  	_ =	swait.ge [sflag:s20], $0x222E  }
0x20: {  	[sflag:s20] =	ssyncset.done $0x0  }
0x21: {  	[sflag:s20] =	ssyncadd.s32 $0xFFFFDDD2  }
0x22: {  	[bflag:$0x0] =	sbarrier.arrive $0xFFFF  }
0x23: {  	[tilespmem:s21], [sflag:$0x7] =	stream.linear.gather [hbm4b:s5+s3], $0x3800, $0x38;
	[tilespmem:$0x1E170] =	vst v63  }
0x24: {  	_ =	swait.ge [sflag:s20], $0x3800  }
0x25: {  	[sflag:s20] =	ssyncset.done $0x0  }
0x26: {  	s13 =	rddreg [dreg:$0x5];
	[sflag:s20] =	ssyncadd.s32 $0xFFFFC800  }
0x27: {  	[tilespmem:s3], [sflag:$0x7] =	stream.linear.gather [hbm4b:s13+s3], $0x1380, $0x38;
	[tilespmem:$0x1E170] =	vst v63  }
0x28: {  	_ =	swait.ge [sflag:s20], $0x1380  }
0x29: {  	[sflag:s20] =	ssyncset.done $0x0  }
0x2a: {  	s14 =	rddreg [dreg:$0x6];
	[sflag:s20] =	ssyncadd.s32 $0xFFFFEC80  }
0x2b: {  	[tilespmem:s22], [sflag:$0x7] =	stream.linear.gather [hbm4b:s14+s3], $0x1380, $0x38;
	[tilespmem:$0x1E170] =	vst v63  }
0x2c: {  	_ =	swait.ge [sflag:s20], $0x1380  }
0x2d: {  	[sflag:s20] =	ssyncset.done $0x0  }
0x2e: {  	[sflag:s20] =	ssyncadd.s32 $0xFFFFEC80  }
0x2f: {  	[tilespmem:s24], [sflag:$0x1] =	stream.indirect.gather [hbm4b:s4+s23], $0x70, s3, s23, $0xb8;
	[tilespmem:$0x1E170] =	vst v63  }
0x30: {  	_ = 	snop  }
0x31: {  	[tilespmem:s25], [sflag:$0x2] =	stream.indirect.gather [hbm4b:s4+s23], $0x70, s23, s23, $0xb8;
	[tilespmem:$0x1E170] =	vst v63  }
0x32: {  	_ = 	snop  }
0x33: {  	[spmem:s2] =	stream.indirect.scatter.add.f32 [tilespmem:s21], [sflag:$0x6], $0x70, s22, s23, $0xb8;
	[tilespmem:$0x1E170] =	vst v63  }
0x34: {  	_ =	swait.ge [sflag:s26], $0x3800  }
0x35: {  	[sflag:s26] =	ssyncset.done $0x0  }
0x36: {  	s11 =	simm.s32 $0x1400;
	[sflag:s26] =	ssyncadd.s32 $0xFFFFC800  }
0x37: {  	[spmem:s2] =	stream.indirect.scatter.add.f32 [tilespmem:s24], [sflag:$0x4], $0x70, s11, s23, $0xb8;
	[tilespmem:$0x1E170] =	vst v63  }
0x38: {  	_ =	swait.ge [sflag:s28], $0x3800  }
0x39: {  	[sflag:s28] =	ssyncset.done $0x0  }
0x3a: {  	s6 =	simm.s32 $0x100;
	[sflag:s28] =	ssyncadd.s32 $0xFFFFC800  }
0x3b: {  	[tilespmem:s21], [sflag:$0x3] =	stream.indirect.gather [hbm4b:s4+s23], $0x70, s6, s23, $0xb8;
	[tilespmem:$0x1E170] =	vst v63  }
0x3c: {  	_ =	swait.ge [sflag:s29], $0x3800  }
0x3d: {  	[sflag:s29] =	ssyncset.done $0x0  }
0x3e: {  	s12 =	simm.s32 $0x1480;
	[sflag:s29] =	ssyncadd.s32 $0xFFFFC800  }
0x3f: {  	[spmem:s2] =	stream.indirect.scatter.add.f32 [tilespmem:s25], [sflag:$0x5], $0x70, s12, s23, $0xb8;
	[tilespmem:$0x1E170] =	vst v63  }
0x40: {  	_ =	swait.ge [sflag:s30], $0x3800  }
0x41: {  	[sflag:s30] =	ssyncset.done $0x0  }
0x42: {  	s13 =	simm.s32 $0x180;
	[sflag:s30] =	ssyncadd.s32 $0xFFFFC800  }
0x43: {  	[tilespmem:s24], [sflag:$0x1] =	stream.indirect.gather [hbm4b:s4+s23], $0x70, s13, s23, $0xb8;
	[tilespmem:$0x1E170] =	vst v63  }
0x44: {  	_ =	swait.ge [sflag:s31], $0x3800  }
0x45: {  	[sflag:s31] =	ssyncset.done $0x0  }
0x46: {  	s14 =	simm.s32 $0x1500;
	[sflag:s31] =	ssyncadd.s32 $0xFFFFC800  }
0x47: {  	[spmem:s2] =	stream.indirect.scatter.add.f32 [tilespmem:s21], [sflag:$0x6], $0x70, s14, s23, $0xb8;
	[tilespmem:$0x1E170] =	vst v63  }
0x48: {  	_ =	swait.ge [sflag:s1], $0x3800  }
0x49: {  	[sflag:s1] =	ssyncset.done $0x0  }
0x4a: {  	s11 =	simm.s32 $0x600;
	s12 =	simm.s32 $0x200;
	[sflag:s1] =	ssyncadd.s32 $0xFFFFC800  }
.LBB2_2:
0x4b: {  	[tilespmem:s25], [sflag:$0x2] =	stream.indirect.gather [hbm4b:s4+s23], $0x70, s12, s23, $0xb8;
	[tilespmem:$0x1E170] =	vst v63  }
0x4c: {  	s12 =	smov.u32 s11  }
0x4d: {  	p2 =	sne.s32 s11, $0x4200;
	s11 =	sadd.s32 $0x600, s11;
	_ =	swait.ge [sflag:s26], $0x3800  }
0x4e: {  	s12 =	sshra.s32 s12, $0x2;
	[sflag:s26] =	ssyncset.done $0x0  }
0x4f: {  	s6 =	sadd.s32 $0x1400, s12;
	[sflag:s26] =	ssyncadd.s32 $0xFFFFC800  }
0x50: {  	[spmem:s2] =	stream.indirect.scatter.add.f32 [tilespmem:s24], [sflag:$0x4], $0x70, s6, s23, $0xb8;
	[tilespmem:$0x1E170] =	vst v63  }
0x51: {  	_ =	swait.ge [sflag:s28], $0x3800  }
0x52: {  	[sflag:s28] =	ssyncset.done $0x0  }
0x53: {  	s6 =	sadd.s32 $0x100, s12;
	[sflag:s28] =	ssyncadd.s32 $0xFFFFC800  }
0x54: {  	[tilespmem:s21], [sflag:$0x3] =	stream.indirect.gather [hbm4b:s4+s23], $0x70, s6, s23, $0xb8;
	[tilespmem:$0x1E170] =	vst v63  }
0x55: {  	_ =	swait.ge [sflag:s29], $0x3800  }
0x56: {  	[sflag:s29] =	ssyncset.done $0x0  }
0x57: {  	s6 =	sadd.s32 $0x1480, s12;
	[sflag:s29] =	ssyncadd.s32 $0xFFFFC800  }
0x58: {  	[spmem:s2] =	stream.indirect.scatter.add.f32 [tilespmem:s25], [sflag:$0x5], $0x70, s6, s23, $0xb8;
	[tilespmem:$0x1E170] =	vst v63  }
0x59: {  	_ =	swait.ge [sflag:s30], $0x3800  }
0x5a: {  	[sflag:s30] =	ssyncset.done $0x0  }
0x5b: {  	s6 =	sadd.s32 $0x180, s12;
	[sflag:s30] =	ssyncadd.s32 $0xFFFFC800  }
0x5c: {  	[tilespmem:s24], [sflag:$0x1] =	stream.indirect.gather [hbm4b:s4+s23], $0x70, s6, s23, $0xb8;
	[tilespmem:$0x1E170] =	vst v63  }
0x5d: {  	_ =	swait.ge [sflag:s31], $0x3800  }
0x5e: {  	[sflag:s31] =	ssyncset.done $0x0  }
.Ltmp0:
0x5f: {  	s6 =	sadd.s32 $0x1500, s12;
	[sflag:s31] =	ssyncadd.s32 $0xFFFFC800;
	(pc) =	sbr.rel @p2 .LBB2_2-.Ltmp0, $4  }
0x60: {  	[spmem:s2] =	stream.indirect.scatter.add.f32 [tilespmem:s21], [sflag:$0x6], $0x70, s6, s23, $0xb8;
	[tilespmem:$0x1E170] =	vst v63  }
0x61: {  	_ =	swait.ge [sflag:s1], $0x3800  }
0x62: {  	[sflag:s1] =	ssyncset.done $0x0  }
0x63: {  	s12 =	sadd.s32 $0x200, s12;
	[sflag:s1] =	ssyncadd.s32 $0xFFFFC800  }
0x64: {  	[tilespmem:s25], [sflag:$0x2] =	stream.indirect.gather [hbm4b:s4+s23], $0x70, s12, s23, $0xb8;
	[tilespmem:$0x1E170] =	vst v63  }
0x65: {  	_ =	swait.ge [sflag:s26], $0x3800  }
0x66: {  	[sflag:s26] =	ssyncset.done $0x0  }
0x67: {  	[sflag:s26] =	ssyncadd.s32 $0xFFFFC800  }
0x68: {  	[spmem:s2] =	stream.indirect.scatter.add.f32 [tilespmem:s24], [sflag:$0x4], $0x70, s0, s23, $0xb8;
	[tilespmem:$0x1E170] =	vst v63  }
0x69: {  	_ =	swait.ge [sflag:s28], $0x3800  }
0x6a: {  	[sflag:s28] =	ssyncset.done $0x0  }
0x6b: {  	[sflag:s28] =	ssyncadd.s32 $0xFFFFC800  }
0x6c: {  	[tilespmem:s21], [sflag:$0x3] =	stream.indirect.gather [hbm4b:s4+s23], $0x70, s7, s23, $0xb8;
	[tilespmem:$0x1E170] =	vst v63  }
0x6d: {  	_ =	swait.ge [sflag:s29], $0x3800  }
0x6e: {  	[sflag:s29] =	ssyncset.done $0x0  }
0x6f: {  	[sflag:s29] =	ssyncadd.s32 $0xFFFFC800  }
0x70: {  	[spmem:s2] =	stream.indirect.scatter.add.f32 [tilespmem:s25], [sflag:$0x5], $0x70, s8, s23, $0xb8;
	[tilespmem:$0x1E170] =	vst v63  }
0x71: {  	_ =	swait.ge [sflag:s30], $0x3800  }
0x72: {  	[sflag:s30] =	ssyncset.done $0x0  }
0x73: {  	[sflag:s30] =	ssyncadd.s32 $0xFFFFC800  }
0x74: {  	[tilespmem:s24], [sflag:$0x1] =	stream.indirect.gather [hbm4b:s4+s23], $0x70, s7, s23, $0xb8;
	[tilespmem:$0x1E170] =	vst v63  }
0x75: {  	_ =	swait.ge [sflag:s31], $0x3800  }
0x76: {  	[sflag:s31] =	ssyncset.done $0x0  }
0x77: {  	[sflag:s31] =	ssyncadd.s32 $0xFFFFC800  }
0x78: {  	[spmem:s2] =	stream.indirect.scatter.add.f32 [tilespmem:s21], [sflag:$0x6], $0x70, s9, s23, $0xb8;
	[tilespmem:$0x1E170] =	vst v63  }
0x79: {  	_ =	swait.ge [sflag:s1], $0x3800  }
0x7a: {  	[sflag:s1] =	ssyncset.done $0x0  }
0x7b: {  	[sflag:s1] =	ssyncadd.s32 $0xFFFFC800  }
0x7c: {  	[tilespmem:s25], [sflag:$0x2] =	stream.indirect.gather [hbm4b:s4+s23], $0x70, s7, s23, $0xb8;
	[tilespmem:$0x1E170] =	vst v63  }
0x7d: {  	_ =	swait.ge [sflag:s26], $0x3800  }
0x7e: {  	[sflag:s26] =	ssyncset.done $0x0  }
0x7f: {  	[sflag:s26] =	ssyncadd.s32 $0xFFFFC800  }
0x80: {  	_ =	swait.ge [sflag:s29], $0x3800  }
0x81: {  	[sflag:s29] =	ssyncset.done $0x0  }
0x82: {  	[sflag:s29] =	ssyncadd.s32 $0xFFFFC800  }
0x83: {  	_ =	swait.ge [sflag:s28], $0x3800  }
0x84: {  	[sflag:s28] =	ssyncset.done $0x0  }
0x85: {  	s6 =	simm.s32 $0x0;
	[sflag:s28] =	ssyncadd.s32 $0xFFFFC800  }
0x86: {  	[tilespmem:s21], [sflag:$0x7] =	stream.linear.gather [hbm4b:s5+s6], $0x3800, $0x38;
	[tilespmem:$0x1E170] =	vst v63  }
0x87: {  	_ =	swait.ge [sflag:s20], $0x3800  }
0x88: {  	[sflag:s20] =	ssyncset.done $0x0  }
0x89: {  	s11 =	rddreg [dreg:$0x7];
	[sflag:s20] =	ssyncadd.s32 $0xFFFFC800  }
0x8a: {  	[tilespmem:s6], [sflag:$0x7] =	stream.linear.gather [hbm4b:s11+s6], $0x1380, $0x38;
	[tilespmem:$0x1E170] =	vst v63  }
0x8b: {  	_ =	swait.ge [sflag:s20], $0x1380  }
0x8c: {  	[sflag:s20] =	ssyncset.done $0x0  }
0x8d: {  	s13 =	rddreg [dreg:$0x8];
	[sflag:s20] =	ssyncadd.s32 $0xFFFFEC80  }
0x8e: {  	[tilespmem:s22], [sflag:$0x7] =	stream.linear.gather [hbm4b:s13+s6], $0x1380, $0x38;
	[tilespmem:$0x1E170] =	vst v63  }
0x8f: {  	_ =	swait.ge [sflag:s20], $0x1380  }
0x90: {  	[sflag:s20] =	ssyncset.done $0x0  }
0x91: {  	[sflag:s20] =	ssyncadd.s32 $0xFFFFEC80  }
0x92: {  	[tilespmem:s24], [sflag:$0x1] =	stream.indirect.gather [hbm4b:s4+s23], $0x70, s6, s23, $0xb8;
	[tilespmem:$0x1E170] =	vst v63  }
0x93: {  	_ = 	snop  }
0x94: {  	[tilespmem:s25], [sflag:$0x2] =	stream.indirect.gather [hbm4b:s4+s23], $0x70, s23, s23, $0xb8;
	[tilespmem:$0x1E170] =	vst v63  }
0x95: {  	_ = 	snop  }
0x96: {  	[spmem:s2] =	stream.indirect.scatter.add.f32 [tilespmem:s21], [sflag:$0x6], $0x70, s22, s23, $0xb8;
	[tilespmem:$0x1E170] =	vst v63  }
0x97: {  	_ =	swait.ge [sflag:s26], $0x3800  }
0x98: {  	[sflag:s26] =	ssyncset.done $0x0  }
0x99: {  	s14 =	simm.s32 $0x1400;
	[sflag:s26] =	ssyncadd.s32 $0xFFFFC800  }
0x9a: {  	[spmem:s2] =	stream.indirect.scatter.add.f32 [tilespmem:s24], [sflag:$0x4], $0x70, s14, s23, $0xb8;
	[tilespmem:$0x1E170] =	vst v63  }
0x9b: {  	_ =	swait.ge [sflag:s28], $0x3800  }
0x9c: {  	[sflag:s28] =	ssyncset.done $0x0  }
0x9d: {  	s11 =	simm.s32 $0x100;
	[sflag:s28] =	ssyncadd.s32 $0xFFFFC800  }
0x9e: {  	[tilespmem:s21], [sflag:$0x3] =	stream.indirect.gather [hbm4b:s4+s23], $0x70, s11, s23, $0xb8;
	[tilespmem:$0x1E170] =	vst v63  }
0x9f: {  	_ =	swait.ge [sflag:s29], $0x3800  }
0xa0: {  	[sflag:s29] =	ssyncset.done $0x0  }
0xa1: {  	s12 =	simm.s32 $0x1480;
	[sflag:s29] =	ssyncadd.s32 $0xFFFFC800  }
0xa2: {  	[spmem:s2] =	stream.indirect.scatter.add.f32 [tilespmem:s25], [sflag:$0x5], $0x70, s12, s23, $0xb8;
	[tilespmem:$0x1E170] =	vst v63  }
0xa3: {  	_ =	swait.ge [sflag:s30], $0x3800  }
0xa4: {  	[sflag:s30] =	ssyncset.done $0x0  }
0xa5: {  	s13 =	simm.s32 $0x180;
	[sflag:s30] =	ssyncadd.s32 $0xFFFFC800  }
0xa6: {  	[tilespmem:s24], [sflag:$0x1] =	stream.indirect.gather [hbm4b:s4+s23], $0x70, s13, s23, $0xb8;
	[tilespmem:$0x1E170] =	vst v63  }
0xa7: {  	_ =	swait.ge [sflag:s31], $0x3800  }
0xa8: {  	[sflag:s31] =	ssyncset.done $0x0  }
0xa9: {  	s14 =	simm.s32 $0x1500;
	[sflag:s31] =	ssyncadd.s32 $0xFFFFC800  }
0xaa: {  	[spmem:s2] =	stream.indirect.scatter.add.f32 [tilespmem:s21], [sflag:$0x6], $0x70, s14, s23, $0xb8;
	[tilespmem:$0x1E170] =	vst v63  }
0xab: {  	_ =	swait.ge [sflag:s1], $0x3800  }
0xac: {  	[sflag:s1] =	ssyncset.done $0x0  }
0xad: {  	s11 =	simm.s32 $0x600;
	s12 =	simm.s32 $0x200;
	[sflag:s1] =	ssyncadd.s32 $0xFFFFC800  }
.LBB2_4:
0xae: {  	[tilespmem:s25], [sflag:$0x2] =	stream.indirect.gather [hbm4b:s4+s23], $0x70, s12, s23, $0xb8;
	[tilespmem:$0x1E170] =	vst v63  }
0xaf: {  	s6 =	smov.u32 s11  }
0xb0: {  	p2 =	sne.s32 s11, $0x4200;
	s11 =	sadd.s32 $0x600, s11;
	_ =	swait.ge [sflag:s26], $0x3800  }
0xb1: {  	s6 =	sshra.s32 s6, $0x2;
	[sflag:s26] =	ssyncset.done $0x0  }
0xb2: {  	s12 =	sadd.s32 $0x1400, s6;
	[sflag:s26] =	ssyncadd.s32 $0xFFFFC800  }
0xb3: {  	[spmem:s2] =	stream.indirect.scatter.add.f32 [tilespmem:s24], [sflag:$0x4], $0x70, s12, s23, $0xb8;
	[tilespmem:$0x1E170] =	vst v63  }
0xb4: {  	_ =	swait.ge [sflag:s28], $0x3800  }
0xb5: {  	[sflag:s28] =	ssyncset.done $0x0  }
0xb6: {  	s12 =	sadd.s32 $0x100, s6;
	[sflag:s28] =	ssyncadd.s32 $0xFFFFC800  }
0xb7: {  	[tilespmem:s21], [sflag:$0x3] =	stream.indirect.gather [hbm4b:s4+s23], $0x70, s12, s23, $0xb8;
	[tilespmem:$0x1E170] =	vst v63  }
0xb8: {  	_ =	swait.ge [sflag:s29], $0x3800  }
0xb9: {  	[sflag:s29] =	ssyncset.done $0x0  }
0xba: {  	s12 =	sadd.s32 $0x1480, s6;
	[sflag:s29] =	ssyncadd.s32 $0xFFFFC800  }
0xbb: {  	[spmem:s2] =	stream.indirect.scatter.add.f32 [tilespmem:s25], [sflag:$0x5], $0x70, s12, s23, $0xb8;
	[tilespmem:$0x1E170] =	vst v63  }
0xbc: {  	_ =	swait.ge [sflag:s30], $0x3800  }
0xbd: {  	[sflag:s30] =	ssyncset.done $0x0  }
0xbe: {  	s12 =	sadd.s32 $0x180, s6;
	[sflag:s30] =	ssyncadd.s32 $0xFFFFC800  }
0xbf: {  	[tilespmem:s24], [sflag:$0x1] =	stream.indirect.gather [hbm4b:s4+s23], $0x70, s12, s23, $0xb8;
	[tilespmem:$0x1E170] =	vst v63  }
0xc0: {  	_ =	swait.ge [sflag:s31], $0x3800  }
0xc1: {  	[sflag:s31] =	ssyncset.done $0x0  }
.Ltmp1:
0xc2: {  	s12 =	sadd.s32 $0x1500, s6;
	[sflag:s31] =	ssyncadd.s32 $0xFFFFC800;
	(pc) =	sbr.rel @p2 .LBB2_4-.Ltmp1, $4  }
0xc3: {  	[spmem:s2] =	stream.indirect.scatter.add.f32 [tilespmem:s21], [sflag:$0x6], $0x70, s12, s23, $0xb8;
	[tilespmem:$0x1E170] =	vst v63  }
0xc4: {  	_ =	swait.ge [sflag:s1], $0x3800  }
0xc5: {  	[sflag:s1] =	ssyncset.done $0x0  }
0xc6: {  	s12 =	sadd.s32 $0x200, s6;
	[sflag:s1] =	ssyncadd.s32 $0xFFFFC800  }
0xc7: {  	[tilespmem:s25], [sflag:$0x2] =	stream.indirect.gather [hbm4b:s4+s23], $0x70, s12, s23, $0xb8;
	[tilespmem:$0x1E170] =	vst v63  }
0xc8: {  	_ =	swait.ge [sflag:s26], $0x3800  }
0xc9: {  	[sflag:s26] =	ssyncset.done $0x0  }
0xca: {  	[sflag:s26] =	ssyncadd.s32 $0xFFFFC800  }
0xcb: {  	[spmem:s2] =	stream.indirect.scatter.add.f32 [tilespmem:s24], [sflag:$0x4], $0x70, s0, s23, $0xb8;
	[tilespmem:$0x1E170] =	vst v63  }
0xcc: {  	_ =	swait.ge [sflag:s28], $0x3800  }
0xcd: {  	[sflag:s28] =	ssyncset.done $0x0  }
0xce: {  	[sflag:s28] =	ssyncadd.s32 $0xFFFFC800  }
0xcf: {  	[tilespmem:s21], [sflag:$0x3] =	stream.indirect.gather [hbm4b:s4+s23], $0x70, s7, s23, $0xb8;
	[tilespmem:$0x1E170] =	vst v63  }
0xd0: {  	_ =	swait.ge [sflag:s29], $0x3800  }
0xd1: {  	[sflag:s29] =	ssyncset.done $0x0  }
0xd2: {  	[sflag:s29] =	ssyncadd.s32 $0xFFFFC800  }
0xd3: {  	[spmem:s2] =	stream.indirect.scatter.add.f32 [tilespmem:s25], [sflag:$0x5], $0x70, s8, s23, $0xb8;
	[tilespmem:$0x1E170] =	vst v63  }
0xd4: {  	_ =	swait.ge [sflag:s30], $0x3800  }
0xd5: {  	[sflag:s30] =	ssyncset.done $0x0  }
0xd6: {  	[sflag:s30] =	ssyncadd.s32 $0xFFFFC800  }
0xd7: {  	[tilespmem:s24], [sflag:$0x1] =	stream.indirect.gather [hbm4b:s4+s23], $0x70, s7, s23, $0xb8;
	[tilespmem:$0x1E170] =	vst v63  }
0xd8: {  	_ =	swait.ge [sflag:s31], $0x3800  }
0xd9: {  	[sflag:s31] =	ssyncset.done $0x0  }
0xda: {  	[sflag:s31] =	ssyncadd.s32 $0xFFFFC800  }
0xdb: {  	[spmem:s2] =	stream.indirect.scatter.add.f32 [tilespmem:s21], [sflag:$0x6], $0x70, s9, s23, $0xb8;
	[tilespmem:$0x1E170] =	vst v63  }
0xdc: {  	_ =	swait.ge [sflag:s1], $0x3800  }
0xdd: {  	[sflag:s1] =	ssyncset.done $0x0  }
0xde: {  	[sflag:s1] =	ssyncadd.s32 $0xFFFFC800  }
0xdf: {  	[tilespmem:s25], [sflag:$0x2] =	stream.indirect.gather [hbm4b:s4+s23], $0x70, s7, s23, $0xb8;
	[tilespmem:$0x1E170] =	vst v63  }
0xe0: {  	_ =	swait.ge [sflag:s26], $0x3800  }
0xe1: {  	[sflag:s26] =	ssyncset.done $0x0  }
0xe2: {  	[sflag:s26] =	ssyncadd.s32 $0xFFFFC800  }
0xe3: {  	_ =	swait.ge [sflag:s29], $0x3800  }
0xe4: {  	[sflag:s29] =	ssyncset.done $0x0  }
0xe5: {  	[sflag:s29] =	ssyncadd.s32 $0xFFFFC800  }
0xe6: {  	_ =	swait.ge [sflag:s28], $0x3800  }
0xe7: {  	s6 =	simm.s32 @!p1 $0x0;
	[sflag:s28] =	ssyncset.done $0x0  }
0xe8: {  	s11 =	simm.s32 @!p1 $0x1380;
	s12 =	rddreg [dreg:$0x9];
	[sflag:s28] =	ssyncadd.s32 $0xFFFFC800  }
0xe9: {  	[tilespmem:s11], [sflag:$0x7] =	stream.linear.gather @!p1 [hbm4b:s12+s6], $0x80, $0x38;
	[tilespmem:$0x1E170] =	vst v63  }
0xea: {  	s12 =	simm.s32 @!p1 $0x7  }
0xeb: {  	_ =	swait.ge @!p1 [sflag:s12], $0x80  }
0xec: {  	[sflag:s12] =	ssyncset.done @!p1 $0x0  }
0xed: {  	s13 =	simm.s32 @!p1 $0x2780;
	s14 =	rddreg [dreg:$0xa];
	[sflag:s12] =	ssyncadd.s32 @!p1 $0xFFFFFF80  }
0xee: {  	[tilespmem:s13], [sflag:$0x7] =	stream.linear.gather @!p1 [hbm4b:s14+s6], $0x80, $0x38;
	[tilespmem:$0x1E170] =	vst v63  }
0xef: {  	_ =	swait.ge @!p1 [sflag:s12], $0x80  }
0xf0: {  	[sflag:s12] =	ssyncset.done @!p1 $0x0  }
0xf1: {  	s6 =	simm.s32 @!p1 $0x80;
	s14 =	simm.s32 @!p1 $0x2800;
	[sflag:s12] =	ssyncadd.s32 @!p1 $0xFFFFFF80  }
0xf2: {  	[tilespmem:s14], [sflag:$0x1] =	stream.indirect.gather @!p1 [hbm4b:s4+s6], $0x70, s11, s6, $0xb8;
	[tilespmem:$0x1E170] =	vst v63  }
0xf3: {  	s11 =	simm.s32 @!p1 $0x1  }
0xf4: {  	_ =	swait.ge @!p1 [sflag:s11], $0x3800  }
0xf5: {  	[sflag:s11] =	ssyncset.done @!p1 $0x0  }
0xf6: {  	[sflag:s11] =	ssyncadd.s32 @!p1 $0xFFFFC800  }
0xf7: {  	[spmem:s2] =	stream.indirect.scatter.add.f32 @!p1 [tilespmem:s14], [sflag:$0x7], $0x70, s13, s6, $0xb8;
	[tilespmem:$0x1E170] =	vst v63  }
0xf8: {  	_ =	swait.ge @!p1 [sflag:s12], $0x3800  }
0xf9: {  	[sflag:s12] =	ssyncset.done @!p1 $0x0  }
0xfa: {  	s11 =	stileid.u32;
	[sflag:s12] =	ssyncadd.s32 @!p1 $0xFFFFC800  }
0xfb: {  	s6 =	sshll.u32 s11, $0x6;
	[bflag:$0x0] =	sbarrier.arrive $0xFFFF  }
0xfc: {  	s6 =	sor.u32 $0x1C07, s6;
	s12 =	sshrl.u32 s15, $0x3;
	s13 =	rddreg [dreg:$0xb]  }
0xfd: {  	[hbm:s13], [sflag:s6] =	dma.local [spmem:s12], $0x222E  }
0xfe: {  	_ =	swait.ge [sflag:s20], $0x222E  }
0xff: {  	s10 =	sadd.s32 $0x1, s10;
	s14 =	rddreg [dreg:$0xc]  }
0x100: {  	p2 =	sne.s32 s10, s14  }
.Ltmp2:
0x101: {  	_ = 	snop;
	(pc) =	sbr.rel @p2 .LBB2_1-.Ltmp2, $3  }
0x102: {  	_ =	sdelay $0x1  }
0x103: {  	[sflag:s20] =	ssyncset.done $0x0  }
0x104: {  	[sflag:s20] =	ssyncadd.s32 $0xFFFFDDD2  }
0x105: {  	_ =	sfence.sel $0x180000  }
0x106: {  	[bflag:$0x0] =	sbarrier.arrive $0xFFFF  }
0x107: {  	_ =	strace $0x9000004A  }
0x108: {  	s0 =	stileid.u32;
	[bflag:$0x2] =	sbarrier.arrive $0xFFFF  }
0x109: {  	p0 =	sne.s32 s0, $0x0;
	s0 =	rddreg [dreg:$0x3]  }
0x10a: {  	s0 =	sadd.s32 @!p0 $0x100000, s0  }
0x10b: {  	[sflag:s0] =	ssyncadd.tile.s32 @!p0 $0x1;
	_ =	shalt  }
.Lfunc_end2:
_tile_overlayer_lowered:
.L_overlay_start_2:
0x10c: {  	(tag) =	ssettag $0x2  }
0x10d: {  	s0 =	rddreg [dreg:$0x0];
	s2 =	stileid.u32  }
0x10e: {  	s1 =	rddreg [dreg:$0x1];
	p0 =	sne.s32 s2, $0x0  }
0x10f: {  	s3 =	rddreg [dreg:$0x2];
	[bflag:$0x3] =	sbarrier.arrive $0xFFFF;
	s2 =	simm.s32 @!p0 $0x1C07  }
0x110: {  	[timem:s3], [sflag:s2] =	dma.local @!p0 [hbm:s0], s1  }
0x111: {  	s0 =	simm.s32 @!p0 $0x7  }
0x112: {  	_ =	swait.ge @!p0 [sflag:s0], s1  }
0x113: {  	s1 =	ssub.s32 @!p0 $0x0, s1;
	[sflag:s0] =	ssyncset.done @!p0 $0x0  }
0x114: {  	[sflag:s0] =	ssyncadd.s32 @!p0 s1  }
0x115: {  	[bflag:$0x3] =	sbarrier.arrive $0xFFFF  }
0x116: {  	_ =	shalt  }

</sc_bundles>
